<compile_context>
chip_gen: v7x
topology: tpu7x:2x2x1
jax: 0.10.2.dev20260603
libtpu: 0.0.44.dev20260713+nightly
codegen_flags: <defaults>
</compile_context>

<pallas_src>
import functools

import jax
import jax.numpy as jnp
from jax import lax
from jax.experimental import pallas as pl
from jax.experimental.pallas import tpu as pltpu
from jax.experimental.pallas import tpu_sc as plsc

_B, _N, _C = 16, 8192, 6
_G, _M = 128, 32
_R = _B * _G * _M
_NW = 32
_RPW = _R // _NW
_GPW = _B * _G // _NW
_CH = 128
_NCH = _RPW // _CH


def _fps_body(xyz_ref, cent_ref, dist_ref):
    col = jax.lax.broadcasted_iota(jnp.int32, (_B, _N), 1)
    gcol = jax.lax.broadcasted_iota(jnp.int32, (_B, _G), 1)
    dist_ref[...] = jnp.full((_B, _N), 1e10, jnp.float32)

    def step(g, carry):
        far, cxs, cys, czs = carry
        X = xyz_ref[0]
        Y = xyz_ref[1]
        Z = xyz_ref[2]
        sel = col == far
        cx = jnp.sum(jnp.where(sel, X, 0.0), axis=1, keepdims=True)
        cy = jnp.sum(jnp.where(sel, Y, 0.0), axis=1, keepdims=True)
        cz = jnp.sum(jnp.where(sel, Z, 0.0), axis=1, keepdims=True)
        cxs = jnp.where(gcol == g, cx, cxs)
        cys = jnp.where(gcol == g, cy, cys)
        czs = jnp.where(gcol == g, cz, czs)
        dx = X - cx
        dy = Y - cy
        dz = Z - cz
        d = (dx * dx + dz * dz) + dy * dy
        nd = jnp.minimum(dist_ref[...], d)
        dist_ref[...] = nd
        m = jnp.max(nd, axis=1, keepdims=True)
        far_new = jnp.min(
            jnp.where(nd == m, col, _N), axis=1, keepdims=True
        ).astype(jnp.int32)
        return far_new, cxs, cys, czs

    far0 = jnp.zeros((_B, 1), jnp.int32)
    c0 = jnp.zeros((_B, _G), jnp.float32)
    _, cxs, cys, czs = jax.lax.fori_loop(0, _G, step, (far0, c0, c0, c0))
    cent_ref[0] = cxs
    cent_ref[1] = cys
    cent_ref[2] = czs


def _knn_body(xyz_ref, cent_ref, idx_ref, d_ref):
    xb = xyz_ref[0]
    cb = cent_ref[0]
    X = xb[0:1, :]
    Y = xb[1:2, :]
    Z = xb[2:3, :]
    cx = cb[:, 0:1]
    cy = cb[:, 1:2]
    cz = cb[:, 2:3]
    pn2 = (X * X + Z * Z) + Y * Y
    cn2 = (cx * cx + cz * cz) + cy * cy
    def _rb(v):
        return v.astype(jnp.bfloat16).astype(jnp.float32)

    dot = _rb(cx) * _rb(X) + _rb(cy) * _rb(Y) + _rb(cz) * _rb(Z)
    d_ref[...] = (cn2 + pn2) - 2.0 * dot
    mcol = jax.lax.broadcasted_iota(jnp.int32, (_G, _M), 1)
    col = jax.lax.broadcasted_iota(jnp.int32, (_G, _N), 1)
    inf = jnp.float32(jnp.inf)

    def step(m, idxs):
        D = d_ref[...]
        mv = jnp.min(D, axis=1, keepdims=True)
        sel = jnp.min(
            jnp.where(D == mv, col, _N), axis=1, keepdims=True
        ).astype(jnp.int32)
        idxs = jnp.where(mcol == m, sel, idxs)
        d_ref[...] = jnp.where(col == sel, inf, D)
        return idxs

    idxs = jax.lax.fori_loop(0, _M, step, jnp.zeros((_G, _M), jnp.int32))
    idx_ref[0] = idxs


def _gather_sc_body(table_hbm, idx_hbm, cpat_hbm, out_hbm, idx_v, rows_v, cent_v, sem):
    wid = lax.axis_index("s") * 2 + lax.axis_index("c")
    base = wid * _RPW
    pltpu.sync_copy(idx_hbm.at[pl.ds(base, _RPW)], idx_v)
    pltpu.sync_copy(cpat_hbm.at[pl.ds(wid * _GPW, _GPW)], cent_v)
    copies = []
    for t in range(_NCH):
        copies.append(pltpu.async_copy(
            table_hbm.at[idx_v.at[pl.ds(t * _CH, _CH)]],
            rows_v.at[pl.ds(t * _CH, _CH)], sem))
    for c in copies:
        c.wait()

    def body(g, _):
        cvec = cent_v[g]

        def inner(r, _):
            row = g * _M + r
            rows_v[row] = rows_v[row] - cvec
            return 0

        return lax.fori_loop(0, _M, inner, 0)

    lax.fori_loop(0, _GPW, body, 0)
    pltpu.sync_copy(rows_v, out_hbm.at[pl.ds(base, _RPW)])


@functools.cache
def _gather_sc():
    return pl.kernel(
        _gather_sc_body,
        out_type=jax.ShapeDtypeStruct((_R, 16), jnp.float32),
        mesh=plsc.VectorSubcoreMesh(core_axis_name="c", subcore_axis_name="s"),
        scratch_types=[
            pltpu.VMEM((_RPW,), jnp.int32),
            pltpu.VMEM((_RPW, 16), jnp.float32),
            pltpu.VMEM((_GPW, 16), jnp.float32),
            pltpu.SemaphoreType.DMA,
        ],
        compiler_params=pltpu.CompilerParams(use_tc_tiling_on_sc=False),
    )


def _fps(xyz_t):
    return pl.pallas_call(
        _fps_body,
        out_shape=jax.ShapeDtypeStruct((3, _B, _G), jnp.float32),
        scratch_shapes=[pltpu.VMEM((_B, _N), jnp.float32)],
    )(xyz_t)


def _knn(xyz_b, centers):
    return pl.pallas_call(
        _knn_body,
        grid=(_B,),
        in_specs=[
            pl.BlockSpec((1, 3, _N), lambda b: (b, 0, 0)),
            pl.BlockSpec((1, _G, 3), lambda b: (b, 0, 0)),
        ],
        out_specs=pl.BlockSpec((1, _G, _M), lambda b: (b, 0, 0)),
        out_shape=jax.ShapeDtypeStruct((_B, _G, _M), jnp.int32),
        scratch_shapes=[pltpu.VMEM((_G, _N), jnp.float32)],
    )(xyz_b, centers)


def kernel(pc_fts):
    xyz = pc_fts[..., :3]
    xyz_t = jnp.transpose(xyz, (2, 0, 1))
    cT = _fps(xyz_t)
    centers = jnp.transpose(cT, (1, 2, 0))
    xyz_b = jnp.transpose(xyz, (0, 2, 1))
    idx = _knn(xyz_b, centers)
    flat = (idx + jnp.arange(_B, dtype=jnp.int32)[:, None, None] * _N).reshape(-1)
    table = jnp.concatenate(
        [pc_fts, jnp.zeros((_B, _N, 10), jnp.float32)], axis=-1
    ).reshape(_B * _N, 16)
    cpat = jnp.concatenate(
        [centers.reshape(_B * _G, 3), jnp.zeros((_B * _G, 13), jnp.float32)],
        axis=-1,
    )
    out = _gather_sc()(table, flat, cpat)
    neigh = out.reshape(_B, _G, _M, 16)[..., :_C]
    return neigh, centers

# --- scband reference (transcript-rebuilt; emitter-appended) ---
"""Pipeline reference for scband-masked-point-group-87806311399885 (READ-ONLY COPY).

The authoritative reference and input builder live on the scoring server;
editing this copy changes nothing except your own understanding.
"""

import jax, jax.numpy as jnp
import numpy as np

NUM_GROUPS = 128
GROUP_SIZE = 32
MASK_IDENT = -100.0


def fps(xyz, npoint):
    # farthest point sampling, seeded at index 0 (matches pointnet2 furthest_point_sample)
    B, N, _ = xyz.shape
    barange = jnp.arange(B)

    def step(carry, _):
        distance, farthest = carry
        centroid = xyz[barange, farthest]            # B, 3
        dist = jnp.sum((xyz - centroid[:, None, :]) ** 2, axis=-1)  # B, N
        distance = jnp.minimum(distance, dist)
        nxt = jnp.argmax(distance, axis=-1).astype(jnp.int32)
        return (distance, nxt), farthest

    init = (jnp.full((B, N), 1e10, dtype=xyz.dtype), jnp.zeros((B,), dtype=jnp.int32))
    _, idxs = jax.lax.scan(step, init, None, length=npoint)   # npoint, B
    centroids = idxs.T                                        # B, npoint
    return xyz[barange[:, None], centroids]                   # B, npoint, 3


def knn_point(nsample, xyz, new_xyz):
    # squared distances between centers (B,G,3) and points (B,N,3)
    sqrdists = (jnp.sum(new_xyz ** 2, axis=-1, keepdims=True)
                + jnp.sum(xyz ** 2, axis=-1)[:, None, :]
                - 2.0 * jnp.einsum('bgd,bnd->bgn', new_xyz, xyz))
    _, idx = jax.lax.top_k(-sqrdists, nsample)
    return idx


def setup_inputs(seed: int = 0) -> dict:
    key = jax.random.key(seed)
    pc_fts = jax.random.normal(key, (16, 8192, 6), dtype=jnp.float32)
    return {"pc_fts": pc_fts}


def reference(pc_fts):
    B, N, C = pc_fts.shape
    xyz = pc_fts[..., :3]
    # fulls = (xyz != MASK_IDENT).all(dim=[1,2]); with randn inputs no coordinate
    # equals MASK_IDENT, so every batch element takes the 'full' branch.
    centers = fps(xyz, NUM_GROUPS)                       # B, G, 3
    idx = knn_point(GROUP_SIZE, xyz, centers)            # B, G, M
    idx_base = jnp.arange(B)[:, None, None] * N
    flat_idx = (idx + idx_base).reshape(-1)
    neigh = pc_fts.reshape(B * N, C)[flat_idx, :]
    neigh = neigh.reshape(B, NUM_GROUPS, GROUP_SIZE, C)
    neigh = neigh.at[..., :3].add(-centers[:, :, None, :])
    return (neigh, centers)

if __name__ == "__main__":
    import jax
    _d = setup_inputs()
    print(jax.jit(kernel)(*tuple(_d.values())))

</pallas_src>

<mosaic_0001>
#map = affine_map<(d0, d1) -> (0, 0)>
#map1 = affine_map<(d0, d1) -> (0)>
module attributes {stable_mosaic.version = 14 : i64} {
  func.func @_gather_sc_body(%arg0: i32, %arg1: i32, %arg2: memref<131072x16xf32, #tpu.memory_space<hbm>>, %arg3: memref<65536xi32, #tpu.memory_space<hbm>>, %arg4: memref<2048x16xf32, #tpu.memory_space<hbm>>, %arg5: memref<65536x16xf32, #tpu.memory_space<hbm>>, %arg6: memref<2048xi32, #tpu.memory_space<vmem>>, %arg7: memref<2048x16xf32, #tpu.memory_space<vmem>>, %arg8: memref<64x16xf32, #tpu.memory_space<vmem>>, %arg9: memref<!tpu.dma_semaphore, #tpu.memory_space<semaphore_mem>>) attributes {dimension_semantics = [#tpu.dimension_semantics<core_parallel>, #tpu.dimension_semantics<subcore_parallel>], iteration_bounds = array<i64: 2, 16>, scalar_prefetch = 0 : i64, scratch_operands = 4 : i64, tpu.core_type = #tpu.core_type<sc_vector_subcore>, window_params = [{transform_indices = #map}, {transform_indices = #map1}, {transform_indices = #map}, {transform_indices = #map}]} {
    %mul3A = arith.constant 2 : i32
    %mul3A_0 = arith.muli %arg1, %mul3A : i32
    %add3A = arith.addi %mul3A_0, %arg0 : i32
    %mul3A_1 = arith.constant 2048 : i32
    %mul3A_2 = arith.muli %add3A, %mul3A_1 : i32
    "tpu.region"() ({
      %run_scoped3A = tpu.sem_alloc : memref<!tpu.dma_semaphore, #tpu.memory_space<semaphore_mem>>
      %dma_start3A_265 = tpu.memref_slice %arg3[%mul3A_2] : memref<65536xi32, #tpu.memory_space<hbm>> -> memref<2048xi32, #tpu.memory_space<hbm>>
      %dma_start3A_266 = tpu.memref_slice %arg3[%mul3A_2] : memref<65536xi32, #tpu.memory_space<hbm>> -> memref<2048xi32, #tpu.memory_space<hbm>>
      tpu.enqueue_dma source(%dma_start3A_266 : memref<2048xi32, #tpu.memory_space<hbm>>) target(%arg6 : memref<2048xi32, #tpu.memory_space<vmem>>) target_semaphore(%run_scoped3A : memref<!tpu.dma_semaphore, #tpu.memory_space<semaphore_mem>>)
      %dma_wait3A_267 = tpu.memref_slice %arg3[%mul3A_2] : memref<65536xi32, #tpu.memory_space<hbm>> -> memref<2048xi32, #tpu.memory_space<hbm>>
      %dma_wait3A_268 = tpu.memref_slice %arg3[%mul3A_2] : memref<65536xi32, #tpu.memory_space<hbm>> -> memref<2048xi32, #tpu.memory_space<hbm>>
      tpu.wait_dma2 semaphore(%run_scoped3A : memref<!tpu.dma_semaphore, #tpu.memory_space<semaphore_mem>>) src(%dma_wait3A_268 : memref<2048xi32, #tpu.memory_space<hbm>>) dst(%arg6 : memref<2048xi32, #tpu.memory_space<vmem>>)
      tpu.yield
    }) : () -> ()
    %mul3A_3 = arith.constant 64 : i32
    %mul3A_4 = arith.muli %add3A, %mul3A_3 : i32
    "tpu.region"() ({
      %run_scoped3A = tpu.sem_alloc : memref<!tpu.dma_semaphore, #tpu.memory_space<semaphore_mem>>
      %dma_start3A_265 = arith.constant 0 : i32
      %dma_start3A_266 = tpu.memref_slice %arg4[%mul3A_4, %dma_start3A_265] : memref<2048x16xf32, #tpu.memory_space<hbm>> -> memref<64x16xf32, #tpu.memory_space<hbm>>
      %dma_start3A_267 = arith.constant 0 : i32
      %dma_start3A_268 = tpu.memref_slice %arg4[%mul3A_4, %dma_start3A_267] : memref<2048x16xf32, #tpu.memory_space<hbm>> -> memref<64x16xf32, #tpu.memory_space<hbm>>
      tpu.enqueue_dma source(%dma_start3A_268 : memref<64x16xf32, #tpu.memory_space<hbm>>) target(%arg8 : memref<64x16xf32, #tpu.memory_space<vmem>>) target_semaphore(%run_scoped3A : memref<!tpu.dma_semaphore, #tpu.memory_space<semaphore_mem>>)
      %dma_wait3A_269 = arith.constant 0 : i32
      %dma_wait3A_270 = tpu.memref_slice %arg4[%mul3A_4, %dma_wait3A_269] : memref<2048x16xf32, #tpu.memory_space<hbm>> -> memref<64x16xf32, #tpu.memory_space<hbm>>
      %dma_wait3A_271 = arith.constant 0 : i32
      %dma_wait3A_272 = tpu.memref_slice %arg4[%mul3A_4, %dma_wait3A_271] : memref<2048x16xf32, #tpu.memory_space<hbm>> -> memref<64x16xf32, #tpu.memory_space<hbm>>
      tpu.wait_dma2 semaphore(%run_scoped3A : memref<!tpu.dma_semaphore, #tpu.memory_space<semaphore_mem>>) src(%dma_wait3A_272 : memref<64x16xf32, #tpu.memory_space<hbm>>) dst(%arg8 : memref<64x16xf32, #tpu.memory_space<vmem>>)
      tpu.yield
    }) : () -> ()
    %dma_start3A = arith.constant 0 : i32
    %dma_start3A_5 = arith.constant 0 : i32
    %dma_start3A_6 = tpu.memref_slice %arg7[%dma_start3A, %dma_start3A_5] : memref<2048x16xf32, #tpu.memory_space<vmem>> -> memref<128x16xf32, #tpu.memory_space<vmem>>
    %dma_start3A_7 = arith.constant 0 : i32
    %dma_start3A_8 = tpu.memref_slice %arg6[%dma_start3A_7] : memref<2048xi32, #tpu.memory_space<vmem>> -> memref<128xi32, #tpu.memory_space<vmem>>
    %dma_start3A_9 = arith.constant 0 : i32
    %dma_start3A_10 = arith.constant 0 : i32
    %dma_start3A_11 = tpu.memref_slice %arg2[%dma_start3A_9, %dma_start3A_10] : memref<131072x16xf32, #tpu.memory_space<hbm>> -> memref<131072x16xf32, #tpu.memory_space<hbm>>
    tpu.enqueue_indirect_dma source(%dma_start3A_11 : memref<131072x16xf32, #tpu.memory_space<hbm>>) target(%dma_start3A_6 : memref<128x16xf32, #tpu.memory_space<vmem>>) offsets(%dma_start3A_8 : memref<128xi32, #tpu.memory_space<vmem>>) semaphore(%arg9 : memref<!tpu.dma_semaphore, #tpu.memory_space<semaphore_mem>>)
    %dma_start3A_12 = arith.constant 128 : i32
    %dma_start3A_13 = arith.constant 0 : i32
    %dma_start3A_14 = tpu.memref_slice %arg7[%dma_start3A_12, %dma_start3A_13] : memref<2048x16xf32, #tpu.memory_space<vmem>> -> memref<128x16xf32, #tpu.memory_space<vmem>>
    %dma_start3A_15 = arith.constant 128 : i32
    %dma_start3A_16 = tpu.memref_slice %arg6[%dma_start3A_15] : memref<2048xi32, #tpu.memory_space<vmem>> -> memref<128xi32, #tpu.memory_space<vmem>>
    %dma_start3A_17 = arith.constant 0 : i32
    %dma_start3A_18 = arith.constant 0 : i32
    %dma_start3A_19 = tpu.memref_slice %arg2[%dma_start3A_17, %dma_start3A_18] : memref<131072x16xf32, #tpu.memory_space<hbm>> -> memref<131072x16xf32, #tpu.memory_space<hbm>>
    tpu.enqueue_indirect_dma source(%dma_start3A_19 : memref<131072x16xf32, #tpu.memory_space<hbm>>) target(%dma_start3A_14 : memref<128x16xf32, #tpu.memory_space<vmem>>) offsets(%dma_start3A_16 : memref<128xi32, #tpu.memory_space<vmem>>) semaphore(%arg9 : memref<!tpu.dma_semaphore, #tpu.memory_space<semaphore_mem>>)
    %dma_start3A_20 = arith.constant 256 : i32
    %dma_start3A_21 = arith.constant 0 : i32
    %dma_start3A_22 = tpu.memref_slice %arg7[%dma_start3A_20, %dma_start3A_21] : memref<2048x16xf32, #tpu.memory_space<vmem>> -> memref<128x16xf32, #tpu.memory_space<vmem>>
    %dma_start3A_23 = arith.constant 256 : i32
    %dma_start3A_24 = tpu.memref_slice %arg6[%dma_start3A_23] : memref<2048xi32, #tpu.memory_space<vmem>> -> memref<128xi32, #tpu.memory_space<vmem>>
    %dma_start3A_25 = arith.constant 0 : i32
    %dma_start3A_26 = arith.constant 0 : i32
    %dma_start3A_27 = tpu.memref_slice %arg2[%dma_start3A_25, %dma_start3A_26] : memref<131072x16xf32, #tpu.memory_space<hbm>> -> memref<131072x16xf32, #tpu.memory_space<hbm>>
    tpu.enqueue_indirect_dma source(%dma_start3A_27 : memref<131072x16xf32, #tpu.memory_space<hbm>>) target(%dma_start3A_22 : memref<128x16xf32, #tpu.memory_space<vmem>>) offsets(%dma_start3A_24 : memref<128xi32, #tpu.memory_space<vmem>>) semaphore(%arg9 : memref<!tpu.dma_semaphore, #tpu.memory_space<semaphore_mem>>)
    %dma_start3A_28 = arith.constant 384 : i32
    %dma_start3A_29 = arith.constant 0 : i32
    %dma_start3A_30 = tpu.memref_slice %arg7[%dma_start3A_28, %dma_start3A_29] : memref<2048x16xf32, #tpu.memory_space<vmem>> -> memref<128x16xf32, #tpu.memory_space<vmem>>
    %dma_start3A_31 = arith.constant 384 : i32
    %dma_start3A_32 = tpu.memref_slice %arg6[%dma_start3A_31] : memref<2048xi32, #tpu.memory_space<vmem>> -> memref<128xi32, #tpu.memory_space<vmem>>
    %dma_start3A_33 = arith.constant 0 : i32
    %dma_start3A_34 = arith.constant 0 : i32
    %dma_start3A_35 = tpu.memref_slice %arg2[%dma_start3A_33, %dma_start3A_34] : memref<131072x16xf32, #tpu.memory_space<hbm>> -> memref<131072x16xf32, #tpu.memory_space<hbm>>
    tpu.enqueue_indirect_dma source(%dma_start3A_35 : memref<131072x16xf32, #tpu.memory_space<hbm>>) target(%dma_start3A_30 : memref<128x16xf32, #tpu.memory_space<vmem>>) offsets(%dma_start3A_32 : memref<128xi32, #tpu.memory_space<vmem>>) semaphore(%arg9 : memref<!tpu.dma_semaphore, #tpu.memory_space<semaphore_mem>>)
    %dma_start3A_36 = arith.constant 512 : i32
    %dma_start3A_37 = arith.constant 0 : i32
    %dma_start3A_38 = tpu.memref_slice %arg7[%dma_start3A_36, %dma_start3A_37] : memref<2048x16xf32, #tpu.memory_space<vmem>> -> memref<128x16xf32, #tpu.memory_space<vmem>>
    %dma_start3A_39 = arith.constant 512 : i32
    %dma_start3A_40 = tpu.memref_slice %arg6[%dma_start3A_39] : memref<2048xi32, #tpu.memory_space<vmem>> -> memref<128xi32, #tpu.memory_space<vmem>>
    %dma_start3A_41 = arith.constant 0 : i32
    %dma_start3A_42 = arith.constant 0 : i32
    %dma_start3A_43 = tpu.memref_slice %arg2[%dma_start3A_41, %dma_start3A_42] : memref<131072x16xf32, #tpu.memory_space<hbm>> -> memref<131072x16xf32, #tpu.memory_space<hbm>>
    tpu.enqueue_indirect_dma source(%dma_start3A_43 : memref<131072x16xf32, #tpu.memory_space<hbm>>) target(%dma_start3A_38 : memref<128x16xf32, #tpu.memory_space<vmem>>) offsets(%dma_start3A_40 : memref<128xi32, #tpu.memory_space<vmem>>) semaphore(%arg9 : memref<!tpu.dma_semaphore, #tpu.memory_space<semaphore_mem>>)
    %dma_start3A_44 = arith.constant 640 : i32
    %dma_start3A_45 = arith.constant 0 : i32
    %dma_start3A_46 = tpu.memref_slice %arg7[%dma_start3A_44, %dma_start3A_45] : memref<2048x16xf32, #tpu.memory_space<vmem>> -> memref<128x16xf32, #tpu.memory_space<vmem>>
    %dma_start3A_47 = arith.constant 640 : i32
    %dma_start3A_48 = tpu.memref_slice %arg6[%dma_start3A_47] : memref<2048xi32, #tpu.memory_space<vmem>> -> memref<128xi32, #tpu.memory_space<vmem>>
    %dma_start3A_49 = arith.constant 0 : i32
    %dma_start3A_50 = arith.constant 0 : i32
    %dma_start3A_51 = tpu.memref_slice %arg2[%dma_start3A_49, %dma_start3A_50] : memref<131072x16xf32, #tpu.memory_space<hbm>> -> memref<131072x16xf32, #tpu.memory_space<hbm>>
    tpu.enqueue_indirect_dma source(%dma_start3A_51 : memref<131072x16xf32, #tpu.memory_space<hbm>>) target(%dma_start3A_46 : memref<128x16xf32, #tpu.memory_space<vmem>>) offsets(%dma_start3A_48 : memref<128xi32, #tpu.memory_space<vmem>>) semaphore(%arg9 : memref<!tpu.dma_semaphore, #tpu.memory_space<semaphore_mem>>)
    %dma_start3A_52 = arith.constant 768 : i32
    %dma_start3A_53 = arith.constant 0 : i32
    %dma_start3A_54 = tpu.memref_slice %arg7[%dma_start3A_52, %dma_start3A_53] : memref<2048x16xf32, #tpu.memory_space<vmem>> -> memref<128x16xf32, #tpu.memory_space<vmem>>
    %dma_start3A_55 = arith.constant 768 : i32
    %dma_start3A_56 = tpu.memref_slice %arg6[%dma_start3A_55] : memref<2048xi32, #tpu.memory_space<vmem>> -> memref<128xi32, #tpu.memory_space<vmem>>
    %dma_start3A_57 = arith.constant 0 : i32
    %dma_start3A_58 = arith.constant 0 : i32
    %dma_start3A_59 = tpu.memref_slice %arg2[%dma_start3A_57, %dma_start3A_58] : memref<131072x16xf32, #tpu.memory_space<hbm>> -> memref<131072x16xf32, #tpu.memory_space<hbm>>
    tpu.enqueue_indirect_dma source(%dma_start3A_59 : memref<131072x16xf32, #tpu.memory_space<hbm>>) target(%dma_start3A_54 : memref<128x16xf32, #tpu.memory_space<vmem>>) offsets(%dma_start3A_56 : memref<128xi32, #tpu.memory_space<vmem>>) semaphore(%arg9 : memref<!tpu.dma_semaphore, #tpu.memory_space<semaphore_mem>>)
    %dma_start3A_60 = arith.constant 896 : i32
    %dma_start3A_61 = arith.constant 0 : i32
    %dma_start3A_62 = tpu.memref_slice %arg7[%dma_start3A_60, %dma_start3A_61] : memref<2048x16xf32, #tpu.memory_space<vmem>> -> memref<128x16xf32, #tpu.memory_space<vmem>>
    %dma_start3A_63 = arith.constant 896 : i32
    %dma_start3A_64 = tpu.memref_slice %arg6[%dma_start3A_63] : memref<2048xi32, #tpu.memory_space<vmem>> -> memref<128xi32, #tpu.memory_space<vmem>>
    %dma_start3A_65 = arith.constant 0 : i32
    %dma_start3A_66 = arith.constant 0 : i32
    %dma_start3A_67 = tpu.memref_slice %arg2[%dma_start3A_65, %dma_start3A_66] : memref<131072x16xf32, #tpu.memory_space<hbm>> -> memref<131072x16xf32, #tpu.memory_space<hbm>>
    tpu.enqueue_indirect_dma source(%dma_start3A_67 : memref<131072x16xf32, #tpu.memory_space<hbm>>) target(%dma_start3A_62 : memref<128x16xf32, #tpu.memory_space<vmem>>) offsets(%dma_start3A_64 : memref<128xi32, #tpu.memory_space<vmem>>) semaphore(%arg9 : memref<!tpu.dma_semaphore, #tpu.memory_space<semaphore_mem>>)
    %dma_start3A_68 = arith.constant 1024 : i32
    %dma_start3A_69 = arith.constant 0 : i32
    %dma_start3A_70 = tpu.memref_slice %arg7[%dma_start3A_68, %dma_start3A_69] : memref<2048x16xf32, #tpu.memory_space<vmem>> -> memref<128x16xf32, #tpu.memory_space<vmem>>
    %dma_start3A_71 = arith.constant 1024 : i32
    %dma_start3A_72 = tpu.memref_slice %arg6[%dma_start3A_71] : memref<2048xi32, #tpu.memory_space<vmem>> -> memref<128xi32, #tpu.memory_space<vmem>>
    %dma_start3A_73 = arith.constant 0 : i32
    %dma_start3A_74 = arith.constant 0 : i32
    %dma_start3A_75 = tpu.memref_slice %arg2[%dma_start3A_73, %dma_start3A_74] : memref<131072x16xf32, #tpu.memory_space<hbm>> -> memref<131072x16xf32, #tpu.memory_space<hbm>>
    tpu.enqueue_indirect_dma source(%dma_start3A_75 : memref<131072x16xf32, #tpu.memory_space<hbm>>) target(%dma_start3A_70 : memref<128x16xf32, #tpu.memory_space<vmem>>) offsets(%dma_start3A_72 : memref<128xi32, #tpu.memory_space<vmem>>) semaphore(%arg9 : memref<!tpu.dma_semaphore, #tpu.memory_space<semaphore_mem>>)
    %dma_start3A_76 = arith.constant 1152 : i32
    %dma_start3A_77 = arith.constant 0 : i32
    %dma_start3A_78 = tpu.memref_slice %arg7[%dma_start3A_76, %dma_start3A_77] : memref<2048x16xf32, #tpu.memory_space<vmem>> -> memref<128x16xf32, #tpu.memory_space<vmem>>
    %dma_start3A_79 = arith.constant 1152 : i32
    %dma_start3A_80 = tpu.memref_slice %arg6[%dma_start3A_79] : memref<2048xi32, #tpu.memory_space<vmem>> -> memref<128xi32, #tpu.memory_space<vmem>>
    %dma_start3A_81 = arith.constant 0 : i32
    %dma_start3A_82 = arith.constant 0 : i32
    %dma_start3A_83 = tpu.memref_slice %arg2[%dma_start3A_81, %dma_start3A_82] : memref<131072x16xf32, #tpu.memory_space<hbm>> -> memref<131072x16xf32, #tpu.memory_space<hbm>>
    tpu.enqueue_indirect_dma source(%dma_start3A_83 : memref<131072x16xf32, #tpu.memory_space<hbm>>) target(%dma_start3A_78 : memref<128x16xf32, #tpu.memory_space<vmem>>) offsets(%dma_start3A_80 : memref<128xi32, #tpu.memory_space<vmem>>) semaphore(%arg9 : memref<!tpu.dma_semaphore, #tpu.memory_space<semaphore_mem>>)
    %dma_start3A_84 = arith.constant 1280 : i32
    %dma_start3A_85 = arith.constant 0 : i32
    %dma_start3A_86 = tpu.memref_slice %arg7[%dma_start3A_84, %dma_start3A_85] : memref<2048x16xf32, #tpu.memory_space<vmem>> -> memref<128x16xf32, #tpu.memory_space<vmem>>
    %dma_start3A_87 = arith.constant 1280 : i32
    %dma_start3A_88 = tpu.memref_slice %arg6[%dma_start3A_87] : memref<2048xi32, #tpu.memory_space<vmem>> -> memref<128xi32, #tpu.memory_space<vmem>>
    %dma_start3A_89 = arith.constant 0 : i32
    %dma_start3A_90 = arith.constant 0 : i32
    %dma_start3A_91 = tpu.memref_slice %arg2[%dma_start3A_89, %dma_start3A_90] : memref<131072x16xf32, #tpu.memory_space<hbm>> -> memref<131072x16xf32, #tpu.memory_space<hbm>>
    tpu.enqueue_indirect_dma source(%dma_start3A_91 : memref<131072x16xf32, #tpu.memory_space<hbm>>) target(%dma_start3A_86 : memref<128x16xf32, #tpu.memory_space<vmem>>) offsets(%dma_start3A_88 : memref<128xi32, #tpu.memory_space<vmem>>) semaphore(%arg9 : memref<!tpu.dma_semaphore, #tpu.memory_space<semaphore_mem>>)
    %dma_start3A_92 = arith.constant 1408 : i32
    %dma_start3A_93 = arith.constant 0 : i32
    %dma_start3A_94 = tpu.memref_slice %arg7[%dma_start3A_92, %dma_start3A_93] : memref<2048x16xf32, #tpu.memory_space<vmem>> -> memref<128x16xf32, #tpu.memory_space<vmem>>
    %dma_start3A_95 = arith.constant 1408 : i32
    %dma_start3A_96 = tpu.memref_slice %arg6[%dma_start3A_95] : memref<2048xi32, #tpu.memory_space<vmem>> -> memref<128xi32, #tpu.memory_space<vmem>>
    %dma_start3A_97 = arith.constant 0 : i32
    %dma_start3A_98 = arith.constant 0 : i32
    %dma_start3A_99 = tpu.memref_slice %arg2[%dma_start3A_97, %dma_start3A_98] : memref<131072x16xf32, #tpu.memory_space<hbm>> -> memref<131072x16xf32, #tpu.memory_space<hbm>>
    tpu.enqueue_indirect_dma source(%dma_start3A_99 : memref<131072x16xf32, #tpu.memory_space<hbm>>) target(%dma_start3A_94 : memref<128x16xf32, #tpu.memory_space<vmem>>) offsets(%dma_start3A_96 : memref<128xi32, #tpu.memory_space<vmem>>) semaphore(%arg9 : memref<!tpu.dma_semaphore, #tpu.memory_space<semaphore_mem>>)
    %dma_start3A_100 = arith.constant 1536 : i32
    %dma_start3A_101 = arith.constant 0 : i32
    %dma_start3A_102 = tpu.memref_slice %arg7[%dma_start3A_100, %dma_start3A_101] : memref<2048x16xf32, #tpu.memory_space<vmem>> -> memref<128x16xf32, #tpu.memory_space<vmem>>
    %dma_start3A_103 = arith.constant 1536 : i32
    %dma_start3A_104 = tpu.memref_slice %arg6[%dma_start3A_103] : memref<2048xi32, #tpu.memory_space<vmem>> -> memref<128xi32, #tpu.memory_space<vmem>>
    %dma_start3A_105 = arith.constant 0 : i32
    %dma_start3A_106 = arith.constant 0 : i32
    %dma_start3A_107 = tpu.memref_slice %arg2[%dma_start3A_105, %dma_start3A_106] : memref<131072x16xf32, #tpu.memory_space<hbm>> -> memref<131072x16xf32, #tpu.memory_space<hbm>>
    tpu.enqueue_indirect_dma source(%dma_start3A_107 : memref<131072x16xf32, #tpu.memory_space<hbm>>) target(%dma_start3A_102 : memref<128x16xf32, #tpu.memory_space<vmem>>) offsets(%dma_start3A_104 : memref<128xi32, #tpu.memory_space<vmem>>) semaphore(%arg9 : memref<!tpu.dma_semaphore, #tpu.memory_space<semaphore_mem>>)
    %dma_start3A_108 = arith.constant 1664 : i32
    %dma_start3A_109 = arith.constant 0 : i32
    %dma_start3A_110 = tpu.memref_slice %arg7[%dma_start3A_108, %dma_start3A_109] : memref<2048x16xf32, #tpu.memory_space<vmem>> -> memref<128x16xf32, #tpu.memory_space<vmem>>
    %dma_start3A_111 = arith.constant 1664 : i32
    %dma_start3A_112 = tpu.memref_slice %arg6[%dma_start3A_111] : memref<2048xi32, #tpu.memory_space<vmem>> -> memref<128xi32, #tpu.memory_space<vmem>>
    %dma_start3A_113 = arith.constant 0 : i32
    %dma_start3A_114 = arith.constant 0 : i32
    %dma_start3A_115 = tpu.memref_slice %arg2[%dma_start3A_113, %dma_start3A_114] : memref<131072x16xf32, #tpu.memory_space<hbm>> -> memref<131072x16xf32, #tpu.memory_space<hbm>>
    tpu.enqueue_indirect_dma source(%dma_start3A_115 : memref<131072x16xf32, #tpu.memory_space<hbm>>) target(%dma_start3A_110 : memref<128x16xf32, #tpu.memory_space<vmem>>) offsets(%dma_start3A_112 : memref<128xi32, #tpu.memory_space<vmem>>) semaphore(%arg9 : memref<!tpu.dma_semaphore, #tpu.memory_space<semaphore_mem>>)
    %dma_start3A_116 = arith.constant 1792 : i32
    %dma_start3A_117 = arith.constant 0 : i32
    %dma_start3A_118 = tpu.memref_slice %arg7[%dma_start3A_116, %dma_start3A_117] : memref<2048x16xf32, #tpu.memory_space<vmem>> -> memref<128x16xf32, #tpu.memory_space<vmem>>
    %dma_start3A_119 = arith.constant 1792 : i32
    %dma_start3A_120 = tpu.memref_slice %arg6[%dma_start3A_119] : memref<2048xi32, #tpu.memory_space<vmem>> -> memref<128xi32, #tpu.memory_space<vmem>>
    %dma_start3A_121 = arith.constant 0 : i32
    %dma_start3A_122 = arith.constant 0 : i32
    %dma_start3A_123 = tpu.memref_slice %arg2[%dma_start3A_121, %dma_start3A_122] : memref<131072x16xf32, #tpu.memory_space<hbm>> -> memref<131072x16xf32, #tpu.memory_space<hbm>>
    tpu.enqueue_indirect_dma source(%dma_start3A_123 : memref<131072x16xf32, #tpu.memory_space<hbm>>) target(%dma_start3A_118 : memref<128x16xf32, #tpu.memory_space<vmem>>) offsets(%dma_start3A_120 : memref<128xi32, #tpu.memory_space<vmem>>) semaphore(%arg9 : memref<!tpu.dma_semaphore, #tpu.memory_space<semaphore_mem>>)
    %dma_start3A_124 = arith.constant 1920 : i32
    %dma_start3A_125 = arith.constant 0 : i32
    %dma_start3A_126 = tpu.memref_slice %arg7[%dma_start3A_124, %dma_start3A_125] : memref<2048x16xf32, #tpu.memory_space<vmem>> -> memref<128x16xf32, #tpu.memory_space<vmem>>
    %dma_start3A_127 = arith.constant 1920 : i32
    %dma_start3A_128 = tpu.memref_slice %arg6[%dma_start3A_127] : memref<2048xi32, #tpu.memory_space<vmem>> -> memref<128xi32, #tpu.memory_space<vmem>>
    %dma_start3A_129 = arith.constant 0 : i32
    %dma_start3A_130 = arith.constant 0 : i32
    %dma_start3A_131 = tpu.memref_slice %arg2[%dma_start3A_129, %dma_start3A_130] : memref<131072x16xf32, #tpu.memory_space<hbm>> -> memref<131072x16xf32, #tpu.memory_space<hbm>>
    tpu.enqueue_indirect_dma source(%dma_start3A_131 : memref<131072x16xf32, #tpu.memory_space<hbm>>) target(%dma_start3A_126 : memref<128x16xf32, #tpu.memory_space<vmem>>) offsets(%dma_start3A_128 : memref<128xi32, #tpu.memory_space<vmem>>) semaphore(%arg9 : memref<!tpu.dma_semaphore, #tpu.memory_space<semaphore_mem>>)
    %dma_wait3A = arith.constant 0 : i32
    %dma_wait3A_132 = arith.constant 0 : i32
    %dma_wait3A_133 = tpu.memref_slice %arg7[%dma_wait3A, %dma_wait3A_132] : memref<2048x16xf32, #tpu.memory_space<vmem>> -> memref<128x16xf32, #tpu.memory_space<vmem>>
    %dma_wait3A_134 = arith.constant 0 : i32
    %dma_wait3A_135 = tpu.memref_slice %arg6[%dma_wait3A_134] : memref<2048xi32, #tpu.memory_space<vmem>> -> memref<128xi32, #tpu.memory_space<vmem>>
    %dma_wait3A_136 = arith.constant 0 : i32
    %dma_wait3A_137 = arith.constant 0 : i32
    %dma_wait3A_138 = tpu.memref_slice %arg2[%dma_wait3A_136, %dma_wait3A_137] : memref<131072x16xf32, #tpu.memory_space<hbm>> -> memref<131072x16xf32, #tpu.memory_space<hbm>>
    tpu.wait_indirect_dma semaphore(%arg9 : memref<!tpu.dma_semaphore, #tpu.memory_space<semaphore_mem>>) src(%dma_wait3A_138 : memref<131072x16xf32, #tpu.memory_space<hbm>>) dst(%dma_wait3A_133 : memref<128x16xf32, #tpu.memory_space<vmem>>)
    %dma_wait3A_139 = arith.constant 128 : i32
    %dma_wait3A_140 = arith.constant 0 : i32
    %dma_wait3A_141 = tpu.memref_slice %arg7[%dma_wait3A_139, %dma_wait3A_140] : memref<2048x16xf32, #tpu.memory_space<vmem>> -> memref<128x16xf32, #tpu.memory_space<vmem>>
    %dma_wait3A_142 = arith.constant 128 : i32
    %dma_wait3A_143 = tpu.memref_slice %arg6[%dma_wait3A_142] : memref<2048xi32, #tpu.memory_space<vmem>> -> memref<128xi32, #tpu.memory_space<vmem>>
    %dma_wait3A_144 = arith.constant 0 : i32
    %dma_wait3A_145 = arith.constant 0 : i32
    %dma_wait3A_146 = tpu.memref_slice %arg2[%dma_wait3A_144, %dma_wait3A_145] : memref<131072x16xf32, #tpu.memory_space<hbm>> -> memref<131072x16xf32, #tpu.memory_space<hbm>>
    tpu.wait_indirect_dma semaphore(%arg9 : memref<!tpu.dma_semaphore, #tpu.memory_space<semaphore_mem>>) src(%dma_wait3A_146 : memref<131072x16xf32, #tpu.memory_space<hbm>>) dst(%dma_wait3A_141 : memref<128x16xf32, #tpu.memory_space<vmem>>)
    %dma_wait3A_147 = arith.constant 256 : i32
    %dma_wait3A_148 = arith.constant 0 : i32
    %dma_wait3A_149 = tpu.memref_slice %arg7[%dma_wait3A_147, %dma_wait3A_148] : memref<2048x16xf32, #tpu.memory_space<vmem>> -> memref<128x16xf32, #tpu.memory_space<vmem>>
    %dma_wait3A_150 = arith.constant 256 : i32
    %dma_wait3A_151 = tpu.memref_slice %arg6[%dma_wait3A_150] : memref<2048xi32, #tpu.memory_space<vmem>> -> memref<128xi32, #tpu.memory_space<vmem>>
    %dma_wait3A_152 = arith.constant 0 : i32
    %dma_wait3A_153 = arith.constant 0 : i32
    %dma_wait3A_154 = tpu.memref_slice %arg2[%dma_wait3A_152, %dma_wait3A_153] : memref<131072x16xf32, #tpu.memory_space<hbm>> -> memref<131072x16xf32, #tpu.memory_space<hbm>>
    tpu.wait_indirect_dma semaphore(%arg9 : memref<!tpu.dma_semaphore, #tpu.memory_space<semaphore_mem>>) src(%dma_wait3A_154 : memref<131072x16xf32, #tpu.memory_space<hbm>>) dst(%dma_wait3A_149 : memref<128x16xf32, #tpu.memory_space<vmem>>)
    %dma_wait3A_155 = arith.constant 384 : i32
    %dma_wait3A_156 = arith.constant 0 : i32
    %dma_wait3A_157 = tpu.memref_slice %arg7[%dma_wait3A_155, %dma_wait3A_156] : memref<2048x16xf32, #tpu.memory_space<vmem>> -> memref<128x16xf32, #tpu.memory_space<vmem>>
    %dma_wait3A_158 = arith.constant 384 : i32
    %dma_wait3A_159 = tpu.memref_slice %arg6[%dma_wait3A_158] : memref<2048xi32, #tpu.memory_space<vmem>> -> memref<128xi32, #tpu.memory_space<vmem>>
    %dma_wait3A_160 = arith.constant 0 : i32
    %dma_wait3A_161 = arith.constant 0 : i32
    %dma_wait3A_162 = tpu.memref_slice %arg2[%dma_wait3A_160, %dma_wait3A_161] : memref<131072x16xf32, #tpu.memory_space<hbm>> -> memref<131072x16xf32, #tpu.memory_space<hbm>>
    tpu.wait_indirect_dma semaphore(%arg9 : memref<!tpu.dma_semaphore, #tpu.memory_space<semaphore_mem>>) src(%dma_wait3A_162 : memref<131072x16xf32, #tpu.memory_space<hbm>>) dst(%dma_wait3A_157 : memref<128x16xf32, #tpu.memory_space<vmem>>)
    %dma_wait3A_163 = arith.constant 512 : i32
    %dma_wait3A_164 = arith.constant 0 : i32
    %dma_wait3A_165 = tpu.memref_slice %arg7[%dma_wait3A_163, %dma_wait3A_164] : memref<2048x16xf32, #tpu.memory_space<vmem>> -> memref<128x16xf32, #tpu.memory_space<vmem>>
    %dma_wait3A_166 = arith.constant 512 : i32
    %dma_wait3A_167 = tpu.memref_slice %arg6[%dma_wait3A_166] : memref<2048xi32, #tpu.memory_space<vmem>> -> memref<128xi32, #tpu.memory_space<vmem>>
    %dma_wait3A_168 = arith.constant 0 : i32
    %dma_wait3A_169 = arith.constant 0 : i32
    %dma_wait3A_170 = tpu.memref_slice %arg2[%dma_wait3A_168, %dma_wait3A_169] : memref<131072x16xf32, #tpu.memory_space<hbm>> -> memref<131072x16xf32, #tpu.memory_space<hbm>>
    tpu.wait_indirect_dma semaphore(%arg9 : memref<!tpu.dma_semaphore, #tpu.memory_space<semaphore_mem>>) src(%dma_wait3A_170 : memref<131072x16xf32, #tpu.memory_space<hbm>>) dst(%dma_wait3A_165 : memref<128x16xf32, #tpu.memory_space<vmem>>)
    %dma_wait3A_171 = arith.constant 640 : i32
    %dma_wait3A_172 = arith.constant 0 : i32
    %dma_wait3A_173 = tpu.memref_slice %arg7[%dma_wait3A_171, %dma_wait3A_172] : memref<2048x16xf32, #tpu.memory_space<vmem>> -> memref<128x16xf32, #tpu.memory_space<vmem>>
    %dma_wait3A_174 = arith.constant 640 : i32
    %dma_wait3A_175 = tpu.memref_slice %arg6[%dma_wait3A_174] : memref<2048xi32, #tpu.memory_space<vmem>> -> memref<128xi32, #tpu.memory_space<vmem>>
    %dma_wait3A_176 = arith.constant 0 : i32
    %dma_wait3A_177 = arith.constant 0 : i32
    %dma_wait3A_178 = tpu.memref_slice %arg2[%dma_wait3A_176, %dma_wait3A_177] : memref<131072x16xf32, #tpu.memory_space<hbm>> -> memref<131072x16xf32, #tpu.memory_space<hbm>>
    tpu.wait_indirect_dma semaphore(%arg9 : memref<!tpu.dma_semaphore, #tpu.memory_space<semaphore_mem>>) src(%dma_wait3A_178 : memref<131072x16xf32, #tpu.memory_space<hbm>>) dst(%dma_wait3A_173 : memref<128x16xf32, #tpu.memory_space<vmem>>)
    %dma_wait3A_179 = arith.constant 768 : i32
    %dma_wait3A_180 = arith.constant 0 : i32
    %dma_wait3A_181 = tpu.memref_slice %arg7[%dma_wait3A_179, %dma_wait3A_180] : memref<2048x16xf32, #tpu.memory_space<vmem>> -> memref<128x16xf32, #tpu.memory_space<vmem>>
    %dma_wait3A_182 = arith.constant 768 : i32
    %dma_wait3A_183 = tpu.memref_slice %arg6[%dma_wait3A_182] : memref<2048xi32, #tpu.memory_space<vmem>> -> memref<128xi32, #tpu.memory_space<vmem>>
    %dma_wait3A_184 = arith.constant 0 : i32
    %dma_wait3A_185 = arith.constant 0 : i32
    %dma_wait3A_186 = tpu.memref_slice %arg2[%dma_wait3A_184, %dma_wait3A_185] : memref<131072x16xf32, #tpu.memory_space<hbm>> -> memref<131072x16xf32, #tpu.memory_space<hbm>>
    tpu.wait_indirect_dma semaphore(%arg9 : memref<!tpu.dma_semaphore, #tpu.memory_space<semaphore_mem>>) src(%dma_wait3A_186 : memref<131072x16xf32, #tpu.memory_space<hbm>>) dst(%dma_wait3A_181 : memref<128x16xf32, #tpu.memory_space<vmem>>)
    %dma_wait3A_187 = arith.constant 896 : i32
    %dma_wait3A_188 = arith.constant 0 : i32
    %dma_wait3A_189 = tpu.memref_slice %arg7[%dma_wait3A_187, %dma_wait3A_188] : memref<2048x16xf32, #tpu.memory_space<vmem>> -> memref<128x16xf32, #tpu.memory_space<vmem>>
    %dma_wait3A_190 = arith.constant 896 : i32
    %dma_wait3A_191 = tpu.memref_slice %arg6[%dma_wait3A_190] : memref<2048xi32, #tpu.memory_space<vmem>> -> memref<128xi32, #tpu.memory_space<vmem>>
    %dma_wait3A_192 = arith.constant 0 : i32
    %dma_wait3A_193 = arith.constant 0 : i32
    %dma_wait3A_194 = tpu.memref_slice %arg2[%dma_wait3A_192, %dma_wait3A_193] : memref<131072x16xf32, #tpu.memory_space<hbm>> -> memref<131072x16xf32, #tpu.memory_space<hbm>>
    tpu.wait_indirect_dma semaphore(%arg9 : memref<!tpu.dma_semaphore, #tpu.memory_space<semaphore_mem>>) src(%dma_wait3A_194 : memref<131072x16xf32, #tpu.memory_space<hbm>>) dst(%dma_wait3A_189 : memref<128x16xf32, #tpu.memory_space<vmem>>)
    %dma_wait3A_195 = arith.constant 1024 : i32
    %dma_wait3A_196 = arith.constant 0 : i32
    %dma_wait3A_197 = tpu.memref_slice %arg7[%dma_wait3A_195, %dma_wait3A_196] : memref<2048x16xf32, #tpu.memory_space<vmem>> -> memref<128x16xf32, #tpu.memory_space<vmem>>
    %dma_wait3A_198 = arith.constant 1024 : i32
    %dma_wait3A_199 = tpu.memref_slice %arg6[%dma_wait3A_198] : memref<2048xi32, #tpu.memory_space<vmem>> -> memref<128xi32, #tpu.memory_space<vmem>>
    %dma_wait3A_200 = arith.constant 0 : i32
    %dma_wait3A_201 = arith.constant 0 : i32
    %dma_wait3A_202 = tpu.memref_slice %arg2[%dma_wait3A_200, %dma_wait3A_201] : memref<131072x16xf32, #tpu.memory_space<hbm>> -> memref<131072x16xf32, #tpu.memory_space<hbm>>
    tpu.wait_indirect_dma semaphore(%arg9 : memref<!tpu.dma_semaphore, #tpu.memory_space<semaphore_mem>>) src(%dma_wait3A_202 : memref<131072x16xf32, #tpu.memory_space<hbm>>) dst(%dma_wait3A_197 : memref<128x16xf32, #tpu.memory_space<vmem>>)
    %dma_wait3A_203 = arith.constant 1152 : i32
    %dma_wait3A_204 = arith.constant 0 : i32
    %dma_wait3A_205 = tpu.memref_slice %arg7[%dma_wait3A_203, %dma_wait3A_204] : memref<2048x16xf32, #tpu.memory_space<vmem>> -> memref<128x16xf32, #tpu.memory_space<vmem>>
    %dma_wait3A_206 = arith.constant 1152 : i32
    %dma_wait3A_207 = tpu.memref_slice %arg6[%dma_wait3A_206] : memref<2048xi32, #tpu.memory_space<vmem>> -> memref<128xi32, #tpu.memory_space<vmem>>
    %dma_wait3A_208 = arith.constant 0 : i32
    %dma_wait3A_209 = arith.constant 0 : i32
    %dma_wait3A_210 = tpu.memref_slice %arg2[%dma_wait3A_208, %dma_wait3A_209] : memref<131072x16xf32, #tpu.memory_space<hbm>> -> memref<131072x16xf32, #tpu.memory_space<hbm>>
    tpu.wait_indirect_dma semaphore(%arg9 : memref<!tpu.dma_semaphore, #tpu.memory_space<semaphore_mem>>) src(%dma_wait3A_210 : memref<131072x16xf32, #tpu.memory_space<hbm>>) dst(%dma_wait3A_205 : memref<128x16xf32, #tpu.memory_space<vmem>>)
    %dma_wait3A_211 = arith.constant 1280 : i32
    %dma_wait3A_212 = arith.constant 0 : i32
    %dma_wait3A_213 = tpu.memref_slice %arg7[%dma_wait3A_211, %dma_wait3A_212] : memref<2048x16xf32, #tpu.memory_space<vmem>> -> memref<128x16xf32, #tpu.memory_space<vmem>>
    %dma_wait3A_214 = arith.constant 1280 : i32
    %dma_wait3A_215 = tpu.memref_slice %arg6[%dma_wait3A_214] : memref<2048xi32, #tpu.memory_space<vmem>> -> memref<128xi32, #tpu.memory_space<vmem>>
    %dma_wait3A_216 = arith.constant 0 : i32
    %dma_wait3A_217 = arith.constant 0 : i32
    %dma_wait3A_218 = tpu.memref_slice %arg2[%dma_wait3A_216, %dma_wait3A_217] : memref<131072x16xf32, #tpu.memory_space<hbm>> -> memref<131072x16xf32, #tpu.memory_space<hbm>>
    tpu.wait_indirect_dma semaphore(%arg9 : memref<!tpu.dma_semaphore, #tpu.memory_space<semaphore_mem>>) src(%dma_wait3A_218 : memref<131072x16xf32, #tpu.memory_space<hbm>>) dst(%dma_wait3A_213 : memref<128x16xf32, #tpu.memory_space<vmem>>)
    %dma_wait3A_219 = arith.constant 1408 : i32
    %dma_wait3A_220 = arith.constant 0 : i32
    %dma_wait3A_221 = tpu.memref_slice %arg7[%dma_wait3A_219, %dma_wait3A_220] : memref<2048x16xf32, #tpu.memory_space<vmem>> -> memref<128x16xf32, #tpu.memory_space<vmem>>
    %dma_wait3A_222 = arith.constant 1408 : i32
    %dma_wait3A_223 = tpu.memref_slice %arg6[%dma_wait3A_222] : memref<2048xi32, #tpu.memory_space<vmem>> -> memref<128xi32, #tpu.memory_space<vmem>>
    %dma_wait3A_224 = arith.constant 0 : i32
    %dma_wait3A_225 = arith.constant 0 : i32
    %dma_wait3A_226 = tpu.memref_slice %arg2[%dma_wait3A_224, %dma_wait3A_225] : memref<131072x16xf32, #tpu.memory_space<hbm>> -> memref<131072x16xf32, #tpu.memory_space<hbm>>
    tpu.wait_indirect_dma semaphore(%arg9 : memref<!tpu.dma_semaphore, #tpu.memory_space<semaphore_mem>>) src(%dma_wait3A_226 : memref<131072x16xf32, #tpu.memory_space<hbm>>) dst(%dma_wait3A_221 : memref<128x16xf32, #tpu.memory_space<vmem>>)
    %dma_wait3A_227 = arith.constant 1536 : i32
    %dma_wait3A_228 = arith.constant 0 : i32
    %dma_wait3A_229 = tpu.memref_slice %arg7[%dma_wait3A_227, %dma_wait3A_228] : memref<2048x16xf32, #tpu.memory_space<vmem>> -> memref<128x16xf32, #tpu.memory_space<vmem>>
    %dma_wait3A_230 = arith.constant 1536 : i32
    %dma_wait3A_231 = tpu.memref_slice %arg6[%dma_wait3A_230] : memref<2048xi32, #tpu.memory_space<vmem>> -> memref<128xi32, #tpu.memory_space<vmem>>
    %dma_wait3A_232 = arith.constant 0 : i32
    %dma_wait3A_233 = arith.constant 0 : i32
    %dma_wait3A_234 = tpu.memref_slice %arg2[%dma_wait3A_232, %dma_wait3A_233] : memref<131072x16xf32, #tpu.memory_space<hbm>> -> memref<131072x16xf32, #tpu.memory_space<hbm>>
    tpu.wait_indirect_dma semaphore(%arg9 : memref<!tpu.dma_semaphore, #tpu.memory_space<semaphore_mem>>) src(%dma_wait3A_234 : memref<131072x16xf32, #tpu.memory_space<hbm>>) dst(%dma_wait3A_229 : memref<128x16xf32, #tpu.memory_space<vmem>>)
    %dma_wait3A_235 = arith.constant 1664 : i32
    %dma_wait3A_236 = arith.constant 0 : i32
    %dma_wait3A_237 = tpu.memref_slice %arg7[%dma_wait3A_235, %dma_wait3A_236] : memref<2048x16xf32, #tpu.memory_space<vmem>> -> memref<128x16xf32, #tpu.memory_space<vmem>>
    %dma_wait3A_238 = arith.constant 1664 : i32
    %dma_wait3A_239 = tpu.memref_slice %arg6[%dma_wait3A_238] : memref<2048xi32, #tpu.memory_space<vmem>> -> memref<128xi32, #tpu.memory_space<vmem>>
    %dma_wait3A_240 = arith.constant 0 : i32
    %dma_wait3A_241 = arith.constant 0 : i32
    %dma_wait3A_242 = tpu.memref_slice %arg2[%dma_wait3A_240, %dma_wait3A_241] : memref<131072x16xf32, #tpu.memory_space<hbm>> -> memref<131072x16xf32, #tpu.memory_space<hbm>>
    tpu.wait_indirect_dma semaphore(%arg9 : memref<!tpu.dma_semaphore, #tpu.memory_space<semaphore_mem>>) src(%dma_wait3A_242 : memref<131072x16xf32, #tpu.memory_space<hbm>>) dst(%dma_wait3A_237 : memref<128x16xf32, #tpu.memory_space<vmem>>)
    %dma_wait3A_243 = arith.constant 1792 : i32
    %dma_wait3A_244 = arith.constant 0 : i32
    %dma_wait3A_245 = tpu.memref_slice %arg7[%dma_wait3A_243, %dma_wait3A_244] : memref<2048x16xf32, #tpu.memory_space<vmem>> -> memref<128x16xf32, #tpu.memory_space<vmem>>
    %dma_wait3A_246 = arith.constant 1792 : i32
    %dma_wait3A_247 = tpu.memref_slice %arg6[%dma_wait3A_246] : memref<2048xi32, #tpu.memory_space<vmem>> -> memref<128xi32, #tpu.memory_space<vmem>>
    %dma_wait3A_248 = arith.constant 0 : i32
    %dma_wait3A_249 = arith.constant 0 : i32
    %dma_wait3A_250 = tpu.memref_slice %arg2[%dma_wait3A_248, %dma_wait3A_249] : memref<131072x16xf32, #tpu.memory_space<hbm>> -> memref<131072x16xf32, #tpu.memory_space<hbm>>
    tpu.wait_indirect_dma semaphore(%arg9 : memref<!tpu.dma_semaphore, #tpu.memory_space<semaphore_mem>>) src(%dma_wait3A_250 : memref<131072x16xf32, #tpu.memory_space<hbm>>) dst(%dma_wait3A_245 : memref<128x16xf32, #tpu.memory_space<vmem>>)
    %dma_wait3A_251 = arith.constant 1920 : i32
    %dma_wait3A_252 = arith.constant 0 : i32
    %dma_wait3A_253 = tpu.memref_slice %arg7[%dma_wait3A_251, %dma_wait3A_252] : memref<2048x16xf32, #tpu.memory_space<vmem>> -> memref<128x16xf32, #tpu.memory_space<vmem>>
    %dma_wait3A_254 = arith.constant 1920 : i32
    %dma_wait3A_255 = tpu.memref_slice %arg6[%dma_wait3A_254] : memref<2048xi32, #tpu.memory_space<vmem>> -> memref<128xi32, #tpu.memory_space<vmem>>
    %dma_wait3A_256 = arith.constant 0 : i32
    %dma_wait3A_257 = arith.constant 0 : i32
    %dma_wait3A_258 = tpu.memref_slice %arg2[%dma_wait3A_256, %dma_wait3A_257] : memref<131072x16xf32, #tpu.memory_space<hbm>> -> memref<131072x16xf32, #tpu.memory_space<hbm>>
    tpu.wait_indirect_dma semaphore(%arg9 : memref<!tpu.dma_semaphore, #tpu.memory_space<semaphore_mem>>) src(%dma_wait3A_258 : memref<131072x16xf32, #tpu.memory_space<hbm>>) dst(%dma_wait3A_253 : memref<128x16xf32, #tpu.memory_space<vmem>>)
    %scan3A = arith.constant 0 : i32
    %scan3A_259 = arith.constant 0 : i32
    %scan3A_260 = arith.constant 64 : i32
    %scan3A_261 = arith.addi %scan3A_259, %scan3A_260 : i32
    %scan3A_262 = arith.constant 1 : i32
    %scan3A_263 = scf.for %scan3A_265 = %scan3A_259 to %scan3A_261 step %scan3A_262 iter_args(%scan3A_266 = %scan3A) -> (i32)  : i32 {
      %get3A = arith.index_cast %scan3A_265 : i32 to index
      %get3A_267 = arith.constant 0 : index
      %get3A_268 = tpu.vector_load %arg8[%get3A, %get3A_267] {strides = array<i32>} : memref<64x16xf32, #tpu.memory_space<vmem>>, vector<1x16xf32>,
      %get3A_269 = vector.shape_cast %get3A_268 : vector<1x16xf32> to vector<16xf32>
      %scan3A_270 = arith.constant 0 : i32
      %scan3A_271 = arith.constant 0 : i32
      %scan3A_272 = arith.constant 32 : i32
      %scan3A_273 = arith.addi %scan3A_271, %scan3A_272 : i32
      %scan3A_274 = arith.constant 1 : i32
      %scan3A_275 = scf.for %scan3A_277 = %scan3A_271 to %scan3A_273 step %scan3A_274 iter_args(%scan3A_278 = %scan3A_270) -> (i32)  : i32 {
        %mul3A_279 = arith.constant 32 : i32
        %mul3A_280 = arith.muli %scan3A_265, %mul3A_279 : i32
        %add3A_281 = arith.addi %mul3A_280, %scan3A_277 : i32
        %get3A_282 = arith.index_cast %add3A_281 : i32 to index
        %get3A_283 = arith.constant 0 : index
        %get3A_284 = tpu.vector_load %arg7[%get3A_282, %get3A_283] {strides = array<i32>} : memref<2048x16xf32, #tpu.memory_space<vmem>>, vector<1x16xf32>,
        %get3A_285 = vector.shape_cast %get3A_284 : vector<1x16xf32> to vector<16xf32>
        %sub3A = arith.subf %get3A_285, %get3A_269 : vector<16xf32>
        %swap3A = arith.index_cast %add3A_281 : i32 to index
        %swap3A_286 = arith.constant 0 : index
        %swap3A_287 = tpu.vector_load %arg7[%swap3A, %swap3A_286] {strides = array<i32>} : memref<2048x16xf32, #tpu.memory_space<vmem>>, vector<1x16xf32>,
        %swap3A_288 = vector.shape_cast %swap3A_287 : vector<1x16xf32> to vector<16xf32>
        %swap3A_289 = vector.shape_cast %sub3A : vector<16xf32> to vector<1x16xf32>
        tpu.vector_store %arg7[%swap3A, %swap3A_286], %swap3A_289 {strides = array<i32>} : memref<2048x16xf32, #tpu.memory_space<vmem>>, vector<1x16xf32>,
        %scan3A_290 = arith.constant 0 : i32
        scf.yield %scan3A_290 : i32
      }
      %scan3A_276 = arith.constant 32 : i32
      scf.yield %scan3A_275 : i32
    }
    %scan3A_264 = arith.constant 64 : i32
    "tpu.region"() ({
      %run_scoped3A = tpu.sem_alloc : memref<!tpu.dma_semaphore, #tpu.memory_space<semaphore_mem>>
      %dma_start3A_265 = arith.constant 0 : i32
      %dma_start3A_266 = tpu.memref_slice %arg5[%mul3A_2, %dma_start3A_265] : memref<65536x16xf32, #tpu.memory_space<hbm>> -> memref<2048x16xf32, #tpu.memory_space<hbm>>
      %dma_start3A_267 = arith.constant 0 : i32
      %dma_start3A_268 = tpu.memref_slice %arg5[%mul3A_2, %dma_start3A_267] : memref<65536x16xf32, #tpu.memory_space<hbm>> -> memref<2048x16xf32, #tpu.memory_space<hbm>>
      tpu.enqueue_dma source(%arg7 : memref<2048x16xf32, #tpu.memory_space<vmem>>) target(%dma_start3A_268 : memref<2048x16xf32, #tpu.memory_space<hbm>>) target_semaphore(%run_scoped3A : memref<!tpu.dma_semaphore, #tpu.memory_space<semaphore_mem>>)
      %dma_wait3A_269 = arith.constant 0 : i32
      %dma_wait3A_270 = tpu.memref_slice %arg5[%mul3A_2, %dma_wait3A_269] : memref<65536x16xf32, #tpu.memory_space<hbm>> -> memref<2048x16xf32, #tpu.memory_space<hbm>>
      %dma_wait3A_271 = arith.constant 0 : i32
      %dma_wait3A_272 = tpu.memref_slice %arg5[%mul3A_2, %dma_wait3A_271] : memref<65536x16xf32, #tpu.memory_space<hbm>> -> memref<2048x16xf32, #tpu.memory_space<hbm>>
      tpu.wait_dma2 semaphore(%run_scoped3A : memref<!tpu.dma_semaphore, #tpu.memory_space<semaphore_mem>>) src(%arg7 : memref<2048x16xf32, #tpu.memory_space<vmem>>) dst(%dma_wait3A_272 : memref<2048x16xf32, #tpu.memory_space<hbm>>)
      tpu.yield
    }) : () -> ()
    return
  }
}

module attributes {stable_mosaic.version = 14 : i64} {
  func.func @_fps_body(%arg0: memref<3x16x8192xf32, #tpu.memory_space<vmem>>, %arg1: memref<3x16x128xf32, #tpu.memory_space<vmem>>, %arg2: memref<16x8192xf32, #tpu.memory_space<vmem>>) attributes {dimension_semantics = [], scalar_prefetch = 0 : i64, scratch_operands = 1 : i64, tpu.core_type = #tpu.core_type<tc>} {
    %iota3A = tpu.iota {dimensions = array<i32: 1>} : vector<16x8192xi32>
    %iota3A_0 = tpu.iota {dimensions = array<i32: 1>} : vector<16x128xi32>
    %broadcast_in_dim3A = arith.constant 1.000000e+10 : f32
    %broadcast_in_dim3A_1 = vector.broadcast %broadcast_in_dim3A : f32 to vector<16x8192xf32>
    %swap3A = arith.constant 0 : index
    %swap3A_2 = arith.constant 0 : index
    %swap3A_3 = vector.load %arg2[%swap3A, %swap3A_2] : memref<16x8192xf32, #tpu.memory_space<vmem>>, vector<16x8192xf32>
    tpu.vector_store %arg2[%swap3A, %swap3A_2], %broadcast_in_dim3A_1 {strides = array<i32>} : memref<16x8192xf32, #tpu.memory_space<vmem>>, vector<16x8192xf32>,
    %broadcast_in_dim3A_4 = arith.constant 0 : i32
    %broadcast_in_dim3A_5 = vector.broadcast %broadcast_in_dim3A_4 : i32 to vector<16x1xi32>
    %broadcast_in_dim3A_6 = arith.constant 0.000000e+00 : f32
    %broadcast_in_dim3A_7 = vector.broadcast %broadcast_in_dim3A_6 : f32 to vector<16x128xf32>
    %scan3A = arith.constant 0 : i32
    %scan3A_8 = arith.constant 128 : i32
    %scan3A_9 = arith.addi %scan3A, %scan3A_8 : i32
    %scan3A_10 = arith.constant 1 : i32
    %scan3A_11:4 = scf.for %scan3A_31 = %scan3A to %scan3A_9 step %scan3A_10 iter_args(%scan3A_32 = %broadcast_in_dim3A_5, %scan3A_33 = %broadcast_in_dim3A_7, %scan3A_34 = %broadcast_in_dim3A_7, %scan3A_35 = %broadcast_in_dim3A_7) -> (vector<16x1xi32>, vector<16x128xf32>, vector<16x128xf32>, vector<16x128xf32>)  : i32 {
      %get3A = arith.constant 0 : index
      %get3A_36 = arith.constant 0 : index
      %get3A_37 = arith.constant 0 : index
      %get3A_38 = vector.load %arg0[%get3A, %get3A_36, %get3A_37] : memref<3x16x8192xf32, #tpu.memory_space<vmem>>, vector<1x16x8192xf32>
      %get3A_39 = vector.shape_cast %get3A_38 : vector<1x16x8192xf32> to vector<16x8192xf32>
      %get3A_40 = arith.constant 1 : index
      %get3A_41 = arith.constant 0 : index
      %get3A_42 = arith.constant 0 : index
      %get3A_43 = vector.load %arg0[%get3A_40, %get3A_41, %get3A_42] : memref<3x16x8192xf32, #tpu.memory_space<vmem>>, vector<1x16x8192xf32>
      %get3A_44 = vector.shape_cast %get3A_43 : vector<1x16x8192xf32> to vector<16x8192xf32>
      %get3A_45 = arith.constant 2 : index
      %get3A_46 = arith.constant 0 : index
      %get3A_47 = arith.constant 0 : index
      %get3A_48 = vector.load %arg0[%get3A_45, %get3A_46, %get3A_47] : memref<3x16x8192xf32, #tpu.memory_space<vmem>>, vector<1x16x8192xf32>
      %get3A_49 = vector.shape_cast %get3A_48 : vector<1x16x8192xf32> to vector<16x8192xf32>
      %eq3A = vector.broadcast %scan3A_32 : vector<16x1xi32> to vector<16x8192xi32>
      %eq3A_50 = arith.cmpi eq, %iota3A, %eq3A : vector<16x8192xi32>
      %jit3A = arith.constant 0.000000e+00 : f32
      %broadcast_in_dim3A_51 = vector.broadcast %jit3A : f32 to vector<16x8192xf32>
      %select_n3A = arith.select %eq3A_50, %get3A_39, %broadcast_in_dim3A_51 : vector<16x8192xi1>, vector<16x8192xf32>
      %reduce_sum3A = arith.constant dense<0.000000e+00> : vector<16xf32>
      %reduce_sum3A_52 = vector.multi_reduction <add>, %select_n3A, %reduce_sum3A [1] : vector<16x8192xf32> to vector<16xf32>
      %broadcast_in_dim3A_53 = vector.shape_cast %reduce_sum3A_52 : vector<16xf32> to vector<16x1xf32>
      %jit3A_54 = arith.constant 0.000000e+00 : f32
      %broadcast_in_dim3A_55 = vector.broadcast %jit3A_54 : f32 to vector<16x8192xf32>
      %select_n3A_56 = arith.select %eq3A_50, %get3A_44, %broadcast_in_dim3A_55 : vector<16x8192xi1>, vector<16x8192xf32>
      %reduce_sum3A_57 = arith.constant dense<0.000000e+00> : vector<16xf32>
      %reduce_sum3A_58 = vector.multi_reduction <add>, %select_n3A_56, %reduce_sum3A_57 [1] : vector<16x8192xf32> to vector<16xf32>
      %broadcast_in_dim3A_59 = vector.shape_cast %reduce_sum3A_58 : vector<16xf32> to vector<16x1xf32>
      %jit3A_60 = arith.constant 0.000000e+00 : f32
      %broadcast_in_dim3A_61 = vector.broadcast %jit3A_60 : f32 to vector<16x8192xf32>
      %select_n3A_62 = arith.select %eq3A_50, %get3A_49, %broadcast_in_dim3A_61 : vector<16x8192xi1>, vector<16x8192xf32>
      %reduce_sum3A_63 = arith.constant dense<0.000000e+00> : vector<16xf32>
      %reduce_sum3A_64 = vector.multi_reduction <add>, %select_n3A_62, %reduce_sum3A_63 [1] : vector<16x8192xf32> to vector<16xf32>
      %broadcast_in_dim3A_65 = vector.shape_cast %reduce_sum3A_64 : vector<16xf32> to vector<16x1xf32>
      %eq3A_66 = vector.broadcast %scan3A_31 : i32 to vector<16x128xi32>
      %eq3A_67 = arith.cmpi eq, %iota3A_0, %eq3A_66 : vector<16x128xi32>
      %broadcast_in_dim3A_68 = vector.shape_cast %broadcast_in_dim3A_53 : vector<16x1xf32> to vector<16x1xf32>
      %broadcast_in_dim3A_69 = vector.broadcast %broadcast_in_dim3A_68 : vector<16x1xf32> to vector<16x128xf32>
      %select_n3A_70 = arith.select %eq3A_67, %broadcast_in_dim3A_69, %scan3A_33 : vector<16x128xi1>, vector<16x128xf32>
      %eq3A_71 = vector.broadcast %scan3A_31 : i32 to vector<16x128xi32>
      %eq3A_72 = arith.cmpi eq, %iota3A_0, %eq3A_71 : vector<16x128xi32>
      %broadcast_in_dim3A_73 = vector.shape_cast %broadcast_in_dim3A_59 : vector<16x1xf32> to vector<16x1xf32>
      %broadcast_in_dim3A_74 = vector.broadcast %broadcast_in_dim3A_73 : vector<16x1xf32> to vector<16x128xf32>
      %select_n3A_75 = arith.select %eq3A_72, %broadcast_in_dim3A_74, %scan3A_34 : vector<16x128xi1>, vector<16x128xf32>
      %eq3A_76 = vector.broadcast %scan3A_31 : i32 to vector<16x128xi32>
      %eq3A_77 = arith.cmpi eq, %iota3A_0, %eq3A_76 : vector<16x128xi32>
      %broadcast_in_dim3A_78 = vector.shape_cast %broadcast_in_dim3A_65 : vector<16x1xf32> to vector<16x1xf32>
      %broadcast_in_dim3A_79 = vector.broadcast %broadcast_in_dim3A_78 : vector<16x1xf32> to vector<16x128xf32>
      %select_n3A_80 = arith.select %eq3A_77, %broadcast_in_dim3A_79, %scan3A_35 : vector<16x128xi1>, vector<16x128xf32>
      %sub3A = vector.broadcast %broadcast_in_dim3A_53 : vector<16x1xf32> to vector<16x8192xf32>
      %sub3A_81 = arith.subf %get3A_39, %sub3A : vector<16x8192xf32>
      %sub3A_82 = vector.broadcast %broadcast_in_dim3A_59 : vector<16x1xf32> to vector<16x8192xf32>
      %sub3A_83 = arith.subf %get3A_44, %sub3A_82 : vector<16x8192xf32>
      %sub3A_84 = vector.broadcast %broadcast_in_dim3A_65 : vector<16x1xf32> to vector<16x8192xf32>
      %sub3A_85 = arith.subf %get3A_49, %sub3A_84 : vector<16x8192xf32>
      %mul3A = arith.mulf %sub3A_81, %sub3A_81 : vector<16x8192xf32>
      %mul3A_86 = arith.mulf %sub3A_85, %sub3A_85 : vector<16x8192xf32>
      %add3A = arith.addf %mul3A, %mul3A_86 : vector<16x8192xf32>
      %mul3A_87 = arith.mulf %sub3A_83, %sub3A_83 : vector<16x8192xf32>
      %add3A_88 = arith.addf %add3A, %mul3A_87 : vector<16x8192xf32>
      %get3A_89 = arith.constant 0 : index
      %get3A_90 = arith.constant 0 : index
      %get3A_91 = vector.load %arg2[%get3A_89, %get3A_90] : memref<16x8192xf32, #tpu.memory_space<vmem>>, vector<16x8192xf32>
      %min3A = arith.minimumf %get3A_91, %add3A_88 : vector<16x8192xf32>
      %swap3A_92 = arith.constant 0 : index
      %swap3A_93 = arith.constant 0 : index
      %swap3A_94 = vector.load %arg2[%swap3A_92, %swap3A_93] : memref<16x8192xf32, #tpu.memory_space<vmem>>, vector<16x8192xf32>
      tpu.vector_store %arg2[%swap3A_92, %swap3A_93], %min3A {strides = array<i32>} : memref<16x8192xf32, #tpu.memory_space<vmem>>, vector<16x8192xf32>,
      %reduce_max3A = arith.constant dense<0xFF800000> : vector<16xf32>
      %reduce_max3A_95 = vector.multi_reduction <maximumf>, %min3A, %reduce_max3A [1] : vector<16x8192xf32> to vector<16xf32>
      %broadcast_in_dim3A_96 = vector.shape_cast %reduce_max3A_95 : vector<16xf32> to vector<16x1xf32>
      %eq3A_97 = vector.broadcast %broadcast_in_dim3A_96 : vector<16x1xf32> to vector<16x8192xf32>
      %eq3A_98 = arith.cmpf oeq, %min3A, %eq3A_97 : vector<16x8192xf32>
      %jit3A_99 = arith.constant 8192 : i32
      %broadcast_in_dim3A_100 = vector.broadcast %jit3A_99 : i32 to vector<16x8192xi32>
      %select_n3A_101 = arith.select %eq3A_98, %iota3A, %broadcast_in_dim3A_100 : vector<16x8192xi1>, vector<16x8192xi32>
      %reduce_min3A = arith.constant dense<2147483647> : vector<16xi32>
      %reduce_min3A_102 = vector.multi_reduction <minsi>, %select_n3A_101, %reduce_min3A [1] : vector<16x8192xi32> to vector<16xi32>
      %broadcast_in_dim3A_103 = vector.shape_cast %reduce_min3A_102 : vector<16xi32> to vector<16x1xi32>
      scf.yield %broadcast_in_dim3A_103, %select_n3A_70, %select_n3A_75, %select_n3A_80 : vector<16x1xi32>, vector<16x128xf32>, vector<16x128xf32>, vector<16x128xf32>
    }
    %scan3A_12 = arith.constant 128 : i32
    %swap3A_13 = arith.constant 0 : index
    %swap3A_14 = arith.constant 0 : index
    %swap3A_15 = arith.constant 0 : index
    %swap3A_16 = vector.load %arg1[%swap3A_13, %swap3A_14, %swap3A_15] : memref<3x16x128xf32, #tpu.memory_space<vmem>>, vector<1x16x128xf32>
    %swap3A_17 = vector.shape_cast %swap3A_16 : vector<1x16x128xf32> to vector<16x128xf32>
    %swap3A_18 = vector.shape_cast %scan3A_11#1 : vector<16x128xf32> to vector<1x16x128xf32>
    tpu.vector_store %arg1[%swap3A_13, %swap3A_14, %swap3A_15], %swap3A_18 {strides = array<i32>} : memref<3x16x128xf32, #tpu.memory_space<vmem>>, vector<1x16x128xf32>,
    %swap3A_19 = arith.constant 1 : index
    %swap3A_20 = arith.constant 0 : index
    %swap3A_21 = arith.constant 0 : index
    %swap3A_22 = vector.load %arg1[%swap3A_19, %swap3A_20, %swap3A_21] : memref<3x16x128xf32, #tpu.memory_space<vmem>>, vector<1x16x128xf32>
    %swap3A_23 = vector.shape_cast %swap3A_22 : vector<1x16x128xf32> to vector<16x128xf32>
    %swap3A_24 = vector.shape_cast %scan3A_11#2 : vector<16x128xf32> to vector<1x16x128xf32>
    tpu.vector_store %arg1[%swap3A_19, %swap3A_20, %swap3A_21], %swap3A_24 {strides = array<i32>} : memref<3x16x128xf32, #tpu.memory_space<vmem>>, vector<1x16x128xf32>,
    %swap3A_25 = arith.constant 2 : index
    %swap3A_26 = arith.constant 0 : index
    %swap3A_27 = arith.constant 0 : index
    %swap3A_28 = vector.load %arg1[%swap3A_25, %swap3A_26, %swap3A_27] : memref<3x16x128xf32, #tpu.memory_space<vmem>>, vector<1x16x128xf32>
    %swap3A_29 = vector.shape_cast %swap3A_28 : vector<1x16x128xf32> to vector<16x128xf32>
    %swap3A_30 = vector.shape_cast %scan3A_11#3 : vector<16x128xf32> to vector<1x16x128xf32>
    tpu.vector_store %arg1[%swap3A_25, %swap3A_26, %swap3A_27], %swap3A_30 {strides = array<i32>} : memref<3x16x128xf32, #tpu.memory_space<vmem>>, vector<1x16x128xf32>,
    return
  }
}

module attributes {stable_mosaic.version = 14 : i64} {
  func.func @_knn_body(%arg0: i32, %arg1: memref<1x3x8192xf32, #tpu.memory_space<vmem>>, %arg2: memref<1x128x3xf32, #tpu.memory_space<vmem>>, %arg3: memref<1x128x32xi32, #tpu.memory_space<vmem>>, %arg4: memref<128x8192xf32, #tpu.memory_space<vmem>>) attributes {dimension_semantics = [#tpu.dimension_semantics<arbitrary>], iteration_bounds = array<i64: 16>, scalar_prefetch = 0 : i64, scratch_operands = 1 : i64, tpu.core_type = #tpu.core_type<tc>, window_params = [{transform_indices = @transform_0, window_bounds = array<i64: 1, 3, 8192>}, {transform_indices = @transform_1, window_bounds = array<i64: 1, 128, 3>}, {transform_indices = @transform_2, window_bounds = array<i64: 1, 128, 32>}]} {
    %get3A = arith.constant 0 : index
    %get3A_0 = arith.constant 0 : index
    %get3A_1 = arith.constant 0 : index
    %get3A_2 = vector.load %arg1[%get3A, %get3A_0, %get3A_1] : memref<1x3x8192xf32, #tpu.memory_space<vmem>>, vector<1x3x8192xf32>
    %get3A_3 = vector.shape_cast %get3A_2 : vector<1x3x8192xf32> to vector<3x8192xf32>
    %get3A_4 = arith.constant 0 : index
    %get3A_5 = arith.constant 0 : index
    %get3A_6 = arith.constant 0 : index
    %get3A_7 = vector.load %arg2[%get3A_4, %get3A_5, %get3A_6] : memref<1x128x3xf32, #tpu.memory_space<vmem>>, vector<1x128x3xf32>
    %get3A_8 = vector.shape_cast %get3A_7 : vector<1x128x3xf32> to vector<128x3xf32>
    %slice3A = vector.extract_strided_slice %get3A_3 {offsets = [0, 0], sizes = [1, 8192], strides = [1, 1]} : vector<3x8192xf32> to vector<1x8192xf32>
    %slice3A_9 = vector.extract_strided_slice %get3A_3 {offsets = [1, 0], sizes = [1, 8192], strides = [1, 1]} : vector<3x8192xf32> to vector<1x8192xf32>
    %slice3A_10 = vector.extract_strided_slice %get3A_3 {offsets = [2, 0], sizes = [1, 8192], strides = [1, 1]} : vector<3x8192xf32> to vector<1x8192xf32>
    %slice3A_11 = vector.extract_strided_slice %get3A_8 {offsets = [0, 0], sizes = [128, 1], strides = [1, 1]} : vector<128x3xf32> to vector<128x1xf32>
    %slice3A_12 = vector.extract_strided_slice %get3A_8 {offsets = [0, 1], sizes = [128, 1], strides = [1, 1]} : vector<128x3xf32> to vector<128x1xf32>
    %slice3A_13 = vector.extract_strided_slice %get3A_8 {offsets = [0, 2], sizes = [128, 1], strides = [1, 1]} : vector<128x3xf32> to vector<128x1xf32>
    %mul3A = arith.mulf %slice3A, %slice3A : vector<1x8192xf32>
    %mul3A_14 = arith.mulf %slice3A_10, %slice3A_10 : vector<1x8192xf32>
    %add3A = arith.addf %mul3A, %mul3A_14 : vector<1x8192xf32>
    %mul3A_15 = arith.mulf %slice3A_9, %slice3A_9 : vector<1x8192xf32>
    %add3A_16 = arith.addf %add3A, %mul3A_15 : vector<1x8192xf32>
    %mul3A_17 = arith.mulf %slice3A_11, %slice3A_11 : vector<128x1xf32>
    %mul3A_18 = arith.mulf %slice3A_13, %slice3A_13 : vector<128x1xf32>
    %add3A_19 = arith.addf %mul3A_17, %mul3A_18 : vector<128x1xf32>
    %mul3A_20 = arith.mulf %slice3A_12, %slice3A_12 : vector<128x1xf32>
    %add3A_21 = arith.addf %add3A_19, %mul3A_20 : vector<128x1xf32>
    %convert_element_type3A = arith.truncf %slice3A_11 : vector<128x1xf32> to vector<128x1xbf16>
    %convert_element_type3A_22 = arith.extf %convert_element_type3A : vector<128x1xbf16> to vector<128x1xf32>
    %convert_element_type3A_23 = arith.truncf %slice3A : vector<1x8192xf32> to vector<1x8192xbf16>
    %convert_element_type3A_24 = arith.extf %convert_element_type3A_23 : vector<1x8192xbf16> to vector<1x8192xf32>
    %mul3A_25 = vector.broadcast %convert_element_type3A_22 : vector<128x1xf32> to vector<128x8192xf32>
    %mul3A_26 = vector.broadcast %convert_element_type3A_24 : vector<1x8192xf32> to vector<128x8192xf32>
    %mul3A_27 = arith.mulf %mul3A_25, %mul3A_26 : vector<128x8192xf32>
    %convert_element_type3A_28 = arith.truncf %slice3A_12 : vector<128x1xf32> to vector<128x1xbf16>
    %convert_element_type3A_29 = arith.extf %convert_element_type3A_28 : vector<128x1xbf16> to vector<128x1xf32>
    %convert_element_type3A_30 = arith.truncf %slice3A_9 : vector<1x8192xf32> to vector<1x8192xbf16>
    %convert_element_type3A_31 = arith.extf %convert_element_type3A_30 : vector<1x8192xbf16> to vector<1x8192xf32>
    %mul3A_32 = vector.broadcast %convert_element_type3A_29 : vector<128x1xf32> to vector<128x8192xf32>
    %mul3A_33 = vector.broadcast %convert_element_type3A_31 : vector<1x8192xf32> to vector<128x8192xf32>
    %mul3A_34 = arith.mulf %mul3A_32, %mul3A_33 : vector<128x8192xf32>
    %add3A_35 = arith.addf %mul3A_27, %mul3A_34 : vector<128x8192xf32>
    %convert_element_type3A_36 = arith.truncf %slice3A_13 : vector<128x1xf32> to vector<128x1xbf16>
    %convert_element_type3A_37 = arith.extf %convert_element_type3A_36 : vector<128x1xbf16> to vector<128x1xf32>
    %convert_element_type3A_38 = arith.truncf %slice3A_10 : vector<1x8192xf32> to vector<1x8192xbf16>
    %convert_element_type3A_39 = arith.extf %convert_element_type3A_38 : vector<1x8192xbf16> to vector<1x8192xf32>
    %mul3A_40 = vector.broadcast %convert_element_type3A_37 : vector<128x1xf32> to vector<128x8192xf32>
    %mul3A_41 = vector.broadcast %convert_element_type3A_39 : vector<1x8192xf32> to vector<128x8192xf32>
    %mul3A_42 = arith.mulf %mul3A_40, %mul3A_41 : vector<128x8192xf32>
    %add3A_43 = arith.addf %add3A_35, %mul3A_42 : vector<128x8192xf32>
    %add3A_44 = vector.broadcast %add3A_21 : vector<128x1xf32> to vector<128x8192xf32>
    %add3A_45 = vector.broadcast %add3A_16 : vector<1x8192xf32> to vector<128x8192xf32>
    %add3A_46 = arith.addf %add3A_44, %add3A_45 : vector<128x8192xf32>
    %mul3A_47 = arith.constant 2.000000e+00 : f32
    %mul3A_48 = vector.broadcast %mul3A_47 : f32 to vector<128x8192xf32>
    %mul3A_49 = arith.mulf %mul3A_48, %add3A_43 : vector<128x8192xf32>
    %sub3A = arith.subf %add3A_46, %mul3A_49 : vector<128x8192xf32>
    %swap3A = arith.constant 0 : index
    %swap3A_50 = arith.constant 0 : index
    %swap3A_51 = vector.load %arg4[%swap3A, %swap3A_50] : memref<128x8192xf32, #tpu.memory_space<vmem>>, vector<128x8192xf32>
    tpu.vector_store %arg4[%swap3A, %swap3A_50], %sub3A {strides = array<i32>} : memref<128x8192xf32, #tpu.memory_space<vmem>>, vector<128x8192xf32>,
    %iota3A = tpu.iota {dimensions = array<i32: 1>} : vector<128x32xi32>
    %iota3A_52 = tpu.iota {dimensions = array<i32: 1>} : vector<128x8192xi32>
    %broadcast_in_dim3A = arith.constant 0 : i32
    %broadcast_in_dim3A_53 = vector.broadcast %broadcast_in_dim3A : i32 to vector<128x32xi32>
    %scan3A = arith.constant 0x7F800000 : f32
    %scan3A_54 = arith.constant 0 : i32
    %scan3A_55 = arith.constant 32 : i32
    %scan3A_56 = arith.addi %scan3A_54, %scan3A_55 : i32
    %scan3A_57 = arith.constant 1 : i32
    %scan3A_58 = scf.for %scan3A_66 = %scan3A_54 to %scan3A_56 step %scan3A_57 iter_args(%scan3A_67 = %broadcast_in_dim3A_53) -> (vector<128x32xi32>)  : i32 {
      %get3A_68 = arith.constant 0 : index
      %get3A_69 = arith.constant 0 : index
      %get3A_70 = vector.load %arg4[%get3A_68, %get3A_69] : memref<128x8192xf32, #tpu.memory_space<vmem>>, vector<128x8192xf32>
      %reduce_min3A = arith.constant dense<0x7F800000> : vector<128xf32>
      %reduce_min3A_71 = vector.multi_reduction <minimumf>, %get3A_70, %reduce_min3A [1] : vector<128x8192xf32> to vector<128xf32>
      %broadcast_in_dim3A_72 = vector.shape_cast %reduce_min3A_71 : vector<128xf32> to vector<128x1xf32>
      %eq3A = vector.broadcast %broadcast_in_dim3A_72 : vector<128x1xf32> to vector<128x8192xf32>
      %eq3A_73 = arith.cmpf oeq, %get3A_70, %eq3A : vector<128x8192xf32>
      %jit3A = arith.constant 8192 : i32
      %broadcast_in_dim3A_74 = vector.broadcast %jit3A : i32 to vector<128x8192xi32>
      %select_n3A = arith.select %eq3A_73, %iota3A_52, %broadcast_in_dim3A_74 : vector<128x8192xi1>, vector<128x8192xi32>
      %reduce_min3A_75 = arith.constant dense<2147483647> : vector<128xi32>
      %reduce_min3A_76 = vector.multi_reduction <minsi>, %select_n3A, %reduce_min3A_75 [1] : vector<128x8192xi32> to vector<128xi32>
      %broadcast_in_dim3A_77 = vector.shape_cast %reduce_min3A_76 : vector<128xi32> to vector<128x1xi32>
      %eq3A_78 = vector.broadcast %scan3A_66 : i32 to vector<128x32xi32>
      %eq3A_79 = arith.cmpi eq, %iota3A, %eq3A_78 : vector<128x32xi32>
      %broadcast_in_dim3A_80 = vector.shape_cast %broadcast_in_dim3A_77 : vector<128x1xi32> to vector<128x1xi32>
      %broadcast_in_dim3A_81 = vector.broadcast %broadcast_in_dim3A_80 : vector<128x1xi32> to vector<128x32xi32>
      %select_n3A_82 = arith.select %eq3A_79, %broadcast_in_dim3A_81, %scan3A_67 : vector<128x32xi1>, vector<128x32xi32>
      %eq3A_83 = vector.broadcast %broadcast_in_dim3A_77 : vector<128x1xi32> to vector<128x8192xi32>
      %eq3A_84 = arith.cmpi eq, %iota3A_52, %eq3A_83 : vector<128x8192xi32>
      %broadcast_in_dim3A_85 = vector.broadcast %scan3A : f32 to vector<128x8192xf32>
      %select_n3A_86 = arith.select %eq3A_84, %broadcast_in_dim3A_85, %get3A_70 : vector<128x8192xi1>, vector<128x8192xf32>
      %swap3A_87 = arith.constant 0 : index
      %swap3A_88 = arith.constant 0 : index
      %swap3A_89 = vector.load %arg4[%swap3A_87, %swap3A_88] : memref<128x8192xf32, #tpu.memory_space<vmem>>, vector<128x8192xf32>
      tpu.vector_store %arg4[%swap3A_87, %swap3A_88], %select_n3A_86 {strides = array<i32>} : memref<128x8192xf32, #tpu.memory_space<vmem>>, vector<128x8192xf32>,
      scf.yield %select_n3A_82 : vector<128x32xi32>
    }
    %scan3A_59 = arith.constant 32 : i32
    %swap3A_60 = arith.constant 0 : index
    %swap3A_61 = arith.constant 0 : index
    %swap3A_62 = arith.constant 0 : index
    %swap3A_63 = vector.load %arg3[%swap3A_60, %swap3A_61, %swap3A_62] : memref<1x128x32xi32, #tpu.memory_space<vmem>>, vector<1x128x32xi32>
    %swap3A_64 = vector.shape_cast %swap3A_63 : vector<1x128x32xi32> to vector<128x32xi32>
    %swap3A_65 = vector.shape_cast %scan3A_58 : vector<128x32xi32> to vector<1x128x32xi32>
    tpu.vector_store %arg3[%swap3A_60, %swap3A_61, %swap3A_62], %swap3A_65 {strides = array<i32>} : memref<1x128x32xi32, #tpu.memory_space<vmem>>, vector<1x128x32xi32>,
    return
  }
  func.func @transform_0(%arg0: i32) -> (i32, i32, i32) {
    %c0_i32 = arith.constant 0 : i32
    %c0_i32_0 = arith.constant 0 : i32
    %c0_i32_1 = arith.constant 0 : i32
    return %arg0, %c0_i32, %c0_i32_0 : i32, i32, i32
  }
  func.func @transform_1(%arg0: i32) -> (i32, i32, i32) {
    %c0_i32 = arith.constant 0 : i32
    %c0_i32_0 = arith.constant 0 : i32
    %c0_i32_1 = arith.constant 0 : i32
    return %arg0, %c0_i32, %c0_i32_0 : i32, i32, i32
  }
  func.func @transform_2(%arg0: i32) -> (i32, i32, i32) {
    %c0_i32 = arith.constant 0 : i32
    %c0_i32_0 = arith.constant 0 : i32
    %c0_i32_1 = arith.constant 0 : i32
    return %arg0, %c0_i32, %c0_i32_0 : i32, i32, i32
  }
}

</mosaic_0001>

<sc_bundles>
// kernel: kernel.5.cloned.1.call-start
scs
__scs_entry_jumppad:
0x0: {  	(pc) =	sbr.rel $0x88, $3  }
0x1: {  	(tag) =	ssettag $0x0;
	lr =	simm.s32 $0x1  }
0x2: {  	[smem:$0x3FA0] =	sst lr;
	_ =	strace $0xD0000000  }
0x3: {  	_ = 	snop  }
0x4: {  	_ = 	snop  }
0x5: {  	_ = 	snop  }
0x6: {  	_ = 	snop  }
0x7: {  	_ = 	snop  }
__scs_overlays_trampoline_lowered:
0x8: {  	[smem:$0x3FAF] =	sst s0  }
0x9: {  	[smem:$0x3FB0] =	sst s1  }
0xa: {  	[smem:$0x3FB1] =	sst s2  }
0xb: {  	[smem:$0x3FB2] =	sst s3  }
0xc: {  	[smem:$0x3FB3] =	sst s4  }
0xd: {  	[smem:$0x3FB4] =	sst s5  }
0xe: {  	[smem:$0x3FB5] =	sst s6  }
0xf: {  	[smem:$0x3FB6] =	sst s7  }
0x10: {  	[smem:$0x3FB7] =	sst s8  }
0x11: {  	[smem:$0x3FB8] =	sst s9;
	s0 =	simm.s32 @!p0 $0x0  }
0x12: {  	s1 =	sld [smem:$0x3F9E];
	s0 =	simm.s32 @p0 $0x1  }
0x13: {  	[smem:$0x3FB9] =	sst s0;
	s0 =	simm.s32 @!p1 $0x0  }
0x14: {  	s2 =	sld [smem:$0x3F9D];
	s0 =	simm.s32 @p1 $0x1  }
0x15: {  	[smem:$0x3FBA] =	sst s0;
	s0 =	simm.s32 @!p2 $0x0  }
0x16: {  	s3 =	sld [smem:$0x3FDB];
	s0 =	simm.s32 @p2 $0x1  }
0x17: {  	s4 =	simm.s32 $0x1BF5;
	[smem:$0x3FBC] =	sst s0  }
0x18: {  	s0 =	sld [smem:$0x3F9F];
	_ =	swait.ge [sflag:s4], $0x0  }
0x19: {  	s7 =	sld [smem:$0x3FA0]  }
0x1a: {  	s8 =	sadd.s32 $0xFFFFE003, lr  }
0x1b: {  	s9 =	sadd.s32 $0xFFFFFEF7, lr;
	s5 =	simm.s32 $0xFFFFFFFF;
	p2 =	slt.u32 s8, $0xFFFFF086  }
0x1c: {  	p1 =	slt.u32 s9, $0xF7A;
	s5 =	simm.s32 @!p2 $0x0  }
0x1d: {  	s5 =	simm.s32 @p1 $0x1;
	p0 =	seq.s32 s7, s2  }
0x1e: {  	s7 =	smul.u32 @!p0 $0xF7A, s2;
	p2 =	seq.s32 @!p0 s5, $0x0  }
0x1f: {  	s9 =	smul.u32 $0xF7A, s1;
	s8 =	simm.s32 @!p0 $0x1BF5;
	p2 =	por !p2, p0  }
0x20: {  	[sflag:s8] =	ssyncset.s32 @!p0 $0xFFFFF086;
	s6 =	sadd.s32 @!p0 s3, s7;
	s7 =	simm.s32 @!p0 $0x108  }
0x21: {  	s3 =	sadd.s32 s3, s9;
	s6 =	sadd.s32 @!p0 $0x88, s6;
	s7 =	simm.s32 @p2 $0x1082  }
0x22: {  	[simem:s7], [sflag:s8] =	dma.local @!p0 [hbm:s6], $0xF7A  }
0x23: {  	s9 =	sor.u32 $0xD0000000, s2;
	s6 =	simm.s32 $0x108;
	_ =	swait.ge @!p0 [sflag:s8], $0x0  }
0x24: {  	s3 =	sadd.s32 $0x88, s3;
	s6 =	simm.s32 @!p1 $0x1082;
	[sflag:s4] =	ssyncset.s32 $0xFFFFF086  }
0x25: {  	[simem:s6], [sflag:s4] =	dma.local [hbm:s3], $0xF7A  }
0x26: {  	[smem:$0x3FA0] =	sst s1;
	(tag) =	ssettag s2;
	_ =	strace s9  }
0x27: {  	s1 =	sld [smem:$0x3FB0]  }
0x28: {  	s2 =	sld [smem:$0x3FB1]  }
0x29: {  	s4 =	sld [smem:$0x3FB3]  }
0x2a: {  	p0 =	seq.s32 s5, $0x0;
	s5 =	sld [smem:$0x3FB4]  }
0x2b: {  	s6 =	sld [smem:$0x3FB5]  }
0x2c: {  	s7 =	sld [smem:$0x3FB6]  }
0x2d: {  	s3 =	simm.s32 $0x108;
	s8 =	sld [smem:$0x3FB7]  }
0x2e: {  	s3 =	simm.s32 @!p0 $0x1082;
	s9 =	sld [smem:$0x3FB8]  }
0x2f: {  	lr =	sadd.s32 s0, s3;
	s0 =	sld [smem:$0x3FAF]  }
0x30: {  	s3 =	sld [smem:$0x3FB2]  }
0x31: {  	[smem:$0x3FBB] =	sst s10  }
0x32: {  	s10 =	sld [smem:$0x3FB9];
	_ =	sdelay $0x3  }
0x33: {  	p0 =	seq.s32 s10, $0x1;
	s10 =	sld [smem:$0x3FBB];
	_ =	sdelay $0x3  }
0x34: {  	[smem:$0x3FBB] =	sst s10  }
0x35: {  	s10 =	sld [smem:$0x3FBA];
	_ =	sdelay $0x3  }
0x36: {  	p1 =	seq.s32 s10, $0x1;
	s10 =	sld [smem:$0x3FBB];
	_ =	sdelay $0x3  }
0x37: {  	[smem:$0x3FBB] =	sst s10  }
0x38: {  	s10 =	sld [smem:$0x3FBC]  }
0x39: {  	_ = 	snop;
	(pc) =	sbr.ind lr, $3  }
0x3a: {  	_ = 	snop  }
0x3b: {  	_ = 	snop  }
0x3c: {  	p2 =	seq.s32 s10, $0x1;
	s10 =	sld [smem:$0x3FBB]  }
0x3d: {  	_ =	shalt  }
0x3e: {  	_ =	shalt  }
0x3f: {  	_ =	shalt  }
0x40: {  	_ =	shalt  }
0x41: {  	_ =	shalt  }
0x42: {  	_ =	shalt  }
0x43: {  	_ =	shalt  }
0x44: {  	_ =	shalt  }
0x45: {  	_ =	shalt  }
0x46: {  	_ =	shalt  }
0x47: {  	_ =	shalt  }
0x48: {  	_ =	shalt  }
0x49: {  	_ =	shalt  }
0x4a: {  	_ =	shalt  }
0x4b: {  	_ =	shalt  }
0x4c: {  	_ =	shalt  }
0x4d: {  	_ =	shalt  }
0x4e: {  	_ =	shalt  }
0x4f: {  	_ =	shalt  }
0x50: {  	_ =	shalt  }
0x51: {  	_ =	shalt  }
0x52: {  	_ =	shalt  }
0x53: {  	_ =	shalt  }
0x54: {  	_ =	shalt  }
0x55: {  	_ =	shalt  }
0x56: {  	_ =	shalt  }
0x57: {  	_ =	shalt  }
0x58: {  	_ =	shalt  }
0x59: {  	_ =	shalt  }
0x5a: {  	_ =	shalt  }
0x5b: {  	_ =	shalt  }
0x5c: {  	_ =	shalt  }
0x5d: {  	_ =	shalt  }
0x5e: {  	_ =	shalt  }
0x5f: {  	_ =	shalt  }
0x60: {  	_ =	shalt  }
0x61: {  	_ =	shalt  }
0x62: {  	_ =	shalt  }
0x63: {  	_ =	shalt  }
0x64: {  	_ =	shalt  }
0x65: {  	_ =	shalt  }
0x66: {  	_ =	shalt  }
0x67: {  	_ =	shalt  }
0x68: {  	_ =	shalt  }
0x69: {  	_ =	shalt  }
0x6a: {  	_ =	shalt  }
0x6b: {  	_ =	shalt  }
0x6c: {  	_ =	shalt  }
0x6d: {  	_ =	shalt  }
0x6e: {  	_ =	shalt  }
0x6f: {  	_ =	shalt  }
0x70: {  	_ =	shalt  }
0x71: {  	_ =	shalt  }
0x72: {  	_ =	shalt  }
0x73: {  	_ =	shalt  }
0x74: {  	_ =	shalt  }
0x75: {  	_ =	shalt  }
0x76: {  	_ =	shalt  }
0x77: {  	_ =	shalt  }
0x78: {  	_ =	shalt  }
0x79: {  	_ =	shalt  }
0x7a: {  	_ =	shalt  }
0x7b: {  	_ =	shalt  }
0x7c: {  	_ =	shalt  }
0x7d: {  	_ =	shalt  }
0x7e: {  	_ =	shalt  }
0x7f: {  	_ =	shalt  }
0x80: {  	_ =	shalt  }
0x81: {  	_ =	shalt  }
0x82: {  	_ =	shalt  }
0x83: {  	_ =	shalt  }
0x84: {  	_ =	shalt  }
0x85: {  	_ =	shalt  }
0x86: {  	_ =	shalt  }
0x87: {  	_ =	shalt  }
.Lfunc_end0:
.L_simem_size_0:
called_computation_lowered:
.L_overlay_start_0:
0x88: {  	s2 =	sld [smem:$0x3FD9]  }
0x89: {  	s3 =	sld [smem:$0x3FFE];
	_ =	sdelay $0x1  }
0x8a: {  	s1 =	srdreg.scid  }
0x8b: {  	s0 =	sand.u32 $0x1, s1  }
0x8c: {  	s14 =	sshll.u32 s0, $0xA;
	s2 =	sadd.s32 s3, s2  }
0x8d: {  	s2 =	sadd.s32 s2, s14  }
0x8e: {  	[smem:$0x3FC7] =	sst s2  }
0x8f: {  	_ = 	snop  }
0x90: {  	s2 =	sld [smem:$0x3FD0];
	_ =	sdelay $0x2  }
0x91: {  	s15 =	simm.s32 $0xA;
	s4 =	simm.s32 $0x10  }
0x92: {  	[smem:s4], [sflag:s15] =	dma.local [hbm:s2], $0x1  }
0x93: {  	_ =	swait.eq [sflag:s15], $0x1  }
0x94: {  	[sflag:s15] =	ssyncset.done $0x0  }
0x95: {  	[sflag:s15] =	ssyncadd.s32 $0xFFFFFFFF  }
0x96: {  	s16 =	sld [smem:$0x10];
	(tm) =	ssettm $0x1  }
0x97: {  	s17 =	sld [smem:$0x3FFB];
	_ =	sdelay $0x3  }
0x98: {  	_ =	strace s17  }
0x99: {  	s3 =	sld [smem:$0x3FFC];
	_ =	sdelay $0x3  }
0x9a: {  	_ =	strace s3  }
0x9b: {  	s3 =	sld [smem:$0x3FFD];
	_ =	sdelay $0x3  }
0x9c: {  	_ =	strace s3  }
0x9d: {  	_ =	strace $0x8FFFFFFF  }
0x9e: {  	s18 =	sld [smem:$0x3FDB];
	_ =	sdelay $0x1  }
0x9f: {  	s19 =	simm.s32 $_scs_section_size  }
0xa0: {  	s5 =	simm.s32 $_size__tile_overlayer_lowered;
	s6 =	simm.s32 $_tile_overlayer_lowered  }
0xa1: {  	s22 =	simm.s32 $0x1BFF;
	s21 =	sshll.u32 s6, $0x1;
	s3 =	sadd.s32 s19, s18  }
0xa2: {  	s7 =	simm.s32 $0x0;
	s20 =	sshll.u32 s5, $0x1;
	s5 =	sadd.s32 s21, s3  }
0xa3: {  	[timem:s7], [sflag:s22] =	dma.local [hbm:s5], s20  }
0xa4: {  	_ =	swait.ge [sflag:s22], s20  }
0xa5: {  	s4 =	ssub.s32 $0x0, s20;
	[sflag:s22] =	ssyncset.done $0x0  }
0xa6: {  	[sflag:s22] =	ssyncadd.s32 s4;
	_ =	sdelay $0x1  }
0xa7: {  	s23 =	simm.s32 $0x1B8B  }
0xa8: {  	_ =	swait.ge [sflag:s23], $0x1  }
0xa9: {  	[sflag:s23] =	ssyncset.done $0x0  }
0xaa: {  	s25 =	simm.s32 $0x1B8E;
	s24 =	sld [smem:$0x3FFE];
	[sflag:s23] =	ssyncadd.s32 $0xFFFFFFFF  }
0xab: {  	s26 =	simm.s32 $execute0_lowered;
	[smem:$0x3FD2] =	sst s25  }
0xac: {  	s5 =	sshll.u32 s26, $0x1;
	_ =	strace $0x80000046;
	[dreg:$0x1] =	wrdreg $0xFFFFFFFF  }
0xad: {  	s28 =	simm.s32 $_size_execute0_lowered;
	s3 =	sadd.s32 s3, s5;
	[dreg:$0x0] =	wrdreg $0x0  }
0xae: {  	s5 =	sshll.u32 s28, $0x1;
	[dreg:$0x2] =	wrdreg s3  }
0xaf: {  	[dreg:$0x3] =	wrdreg s5  }
0xb0: {  	[dreg:$0x4] =	wrdreg $0xC0  }
0xb1: {  	_ =	task [dreg:s7], $0x5FFFF  }
0xb2: {  	[dreg:$0x1] =	wrdreg $0xFFFFFFFF  }
0xb3: {  	[dreg:$0x0] =	wrdreg $0x60  }
0xb4: {  	[dreg:$0x2] =	wrdreg s24  }
0xb5: {  	[dreg:$0x3] =	wrdreg s16  }
0xb6: {  	[dreg:$0x4] =	wrdreg $0x9  }
0xb7: {  	_ =	task.clear_ibuf [dreg:s7], $0x5FFFF;
	_ =	strace $0x90000046  }
0xb8: {  	s29 =	simm.s32 $0x9;
	_ =	strace $0x80000048  }
0xb9: {  	_ =	swait.ge [sflag:s29], $0x1  }
0xba: {  	[sflag:s29] =	ssyncadd.s32 $0xFFFFFFFF  }
0xbb: {  	_ =	strace $0x90000048  }
0xbc: {  	_ =	sfence  }
0xbd: {  	s30 =	sld [smem:$0x0];
	_ =	sdelay $0x2  }
0xbe: {  	s31 =	sshll.u32 s1, $0xD;
	s1 =	sshrl.u32 s1, $0x2  }
0xbf: {  	s3 =	sand.u32 $0x4000, s31;
	s1 =	sadd.s32 s1, s30  }
0xc0: {  	s0 =	sor.u32 s3, s0;
	s1 =	sshll.u32 s1, $0x11  }
0xc1: {  	s0 =	sor.u32 s1, s0  }
0xc2: {  	s0 =	sadd.s32 $0x8F2B, s0  }
0xc3: {  	[sflag:s0] =	ssyncadd.remote.s32 $0x1  }
0xc4: {  	_ =	sfence.sel $0xFFFF  }
0xc5: {  	[dreg:$0x0] =	wrdreg $0xFFFFFFFF;
	(pc) =	sbr.abs _section_cstart, $3  }
0xc6: {  	[dreg:$0x1] =	wrdreg $0xFFFFFFFF  }
0xc7: {  	_ =	task.clear_ibuf [dreg:s7], $0x2FFFF;
	_ =	strace $0x9FFFFFFF  }
0xc8: {  	(tm) =	ssettm $0x7FFFFFFF  }
0xc9: {  	_ =	shalt  }
tec
execute0_lowered:
.L_overlay_start_1:
0x0: {  	(tag) =	ssettag $0x1  }
0x1: {  	s0 =	rddreg [dreg:$0x0]  }
0x2: {  	s1 =	rddreg [dreg:$0x1]  }
0x3: {  	s2 =	simm.s32 $0x0;
	s3 =	srdreg.scid;
	s5 =	stileid.u32  }
0x4: {  	s10 =	simm.s32 $0x80;
	s28 =	simm.s32 $0x5000;
	s29 =	simm.s32 $0x500  }
0x5: {  	s30 =	simm.s32 $0x5800;
	s31 =	simm.s32 $0x580;
	s9 =	simm.s32 $0x6800  }
0x6: {  	s11 =	simm.s32 $0x680;
	s12 =	simm.s32 $0x7000;
	s13 =	simm.s32 $0x700  }
0x7: {  	s14 =	simm.s32 $0x7800;
	s15 =	simm.s32 $0x780;
	s16 =	simm.s32 $0x8000  }
0x8: {  	s17 =	simm.s32 $0x1;
	s18 =	simm.s32 $0x800;
	s19 =	simm.s32 $0x0  }
0x9: {  	[smem:$0x7FF] =	sst s2;
	s4 =	sand.u32 $0x1, s3;
	s24 =	sshll.u32 s5, $0x1  }
0xa: {  	s3 =	sadd.s32 $0x800, s0;
	_ =	strace $0x80000047;
	s5 =	sor.u32 s4, s24  }
0xb: {  	s4 =	ssub.s32 $0x2, s4;
	s24 =	simm.s32 $0x400;
	s6 =	sshll.u32 s5, $0x7  }
0xc: {  	s7 =	sshll.u32 s5, $0xC;
	s8 =	sshrl.u32 s4, $0x1;
	s26 =	sshll.u32 s5, $0x8  }
0xd: {  	s6 =	sadd.s32 s6, s0;
	s0 =	sadd.s32 s7, s0;
	s25 =	ssub.s32 s4, s8  }
0xe: {  	s4 =	sadd.s32 s1, s26;
	s8 =	simm.s32 $0x2;
	s26 =	simm.s32 $0x480  }
0xf: {  	s1 =	simm.s32 $0x600;
	s5 =	sadd.s32 $0x40800, s6;
	s6 =	sadd.s32 $0x41800, s0  }
0x10: {  	s7 =	smax.u32 s25, $0x1;
	s25 =	simm.s32 $0x4800;
	s0 =	simm.s32 $0x6000  }
.LBB2_1:
0x11: {  	[tilespmem:s2], [sflag:$0x2] =	stream.linear.gather [hbm4b:s4+s2], $0x800, $0x38;
	[tilespmem:$0x8C00] =	vst v63  }
0x12: {  	_ =	swait.ge [sflag:s8], $0x800  }
0x13: {  	[sflag:s8] =	ssyncset.done $0x0  }
0x14: {  	s20 =	simm.s32 $0x8800;
	[sflag:s8] =	ssyncadd.s32 $0xFFFFF800  }
0x15: {  	[tilespmem:s20], [sflag:$0x2] =	stream.linear.gather [hbm4b:s5+s2], $0x400, $0x38;
	[tilespmem:$0x8C00] =	vst v63  }
0x16: {  	_ =	swait.ge [sflag:s8], $0x400  }
0x17: {  	[sflag:s8] =	ssyncset.done $0x0  }
0x18: {  	[sflag:s8] =	ssyncadd.s32 $0xFFFFFC00  }
0x19: {  	[tilespmem:s18], [sflag:$0x1] =	stream.indirect.gather [hbm4b:s3+s10], $0x10, s2, s10, $0xb8;
	[tilespmem:$0x8C00] =	vst v63  }
0x1a: {  	s22 =	simm.s32 $0x1000  }
0x1b: {  	[tilespmem:s22], [sflag:$0x1] =	stream.indirect.gather [hbm4b:s3+s10], $0x10, s10, s10, $0xb8;
	[tilespmem:$0x8C00] =	vst v63  }
0x1c: {  	s23 =	simm.s32 $0x100;
	s21 =	simm.s32 $0x1800  }
0x1d: {  	[tilespmem:s21], [sflag:$0x1] =	stream.indirect.gather [hbm4b:s3+s10], $0x10, s23, s10, $0xb8;
	[tilespmem:$0x8C00] =	vst v63  }
0x1e: {  	s22 =	simm.s32 $0x180;
	s23 =	simm.s32 $0x2000  }
0x1f: {  	[tilespmem:s23], [sflag:$0x1] =	stream.indirect.gather [hbm4b:s3+s10], $0x10, s22, s10, $0xb8;
	[tilespmem:$0x8C00] =	vst v63  }
0x20: {  	s22 =	simm.s32 $0x200;
	s23 =	simm.s32 $0x2800  }
0x21: {  	[tilespmem:s23], [sflag:$0x1] =	stream.indirect.gather [hbm4b:s3+s10], $0x10, s22, s10, $0xb8;
	[tilespmem:$0x8C00] =	vst v63  }
0x22: {  	s22 =	simm.s32 $0x280;
	s23 =	simm.s32 $0x3000  }
0x23: {  	[tilespmem:s23], [sflag:$0x1] =	stream.indirect.gather [hbm4b:s3+s10], $0x10, s22, s10, $0xb8;
	[tilespmem:$0x8C00] =	vst v63  }
0x24: {  	s22 =	simm.s32 $0x300;
	s23 =	simm.s32 $0x3800  }
0x25: {  	[tilespmem:s23], [sflag:$0x1] =	stream.indirect.gather [hbm4b:s3+s10], $0x10, s22, s10, $0xb8;
	[tilespmem:$0x8C00] =	vst v63  }
0x26: {  	s22 =	simm.s32 $0x380;
	s23 =	simm.s32 $0x4000  }
0x27: {  	[tilespmem:s23], [sflag:$0x1] =	stream.indirect.gather [hbm4b:s3+s10], $0x10, s22, s10, $0xb8;
	[tilespmem:$0x8C00] =	vst v63  }
0x28: {  	_ = 	snop  }
0x29: {  	[tilespmem:s25], [sflag:$0x1] =	stream.indirect.gather [hbm4b:s3+s10], $0x10, s24, s10, $0xb8;
	[tilespmem:$0x8C00] =	vst v63  }
0x2a: {  	_ = 	snop  }
0x2b: {  	[tilespmem:s28], [sflag:$0x1] =	stream.indirect.gather [hbm4b:s3+s10], $0x10, s26, s10, $0xb8;
	[tilespmem:$0x8C00] =	vst v63  }
0x2c: {  	_ = 	snop  }
0x2d: {  	[tilespmem:s30], [sflag:$0x1] =	stream.indirect.gather [hbm4b:s3+s10], $0x10, s29, s10, $0xb8;
	[tilespmem:$0x8C00] =	vst v63  }
0x2e: {  	_ = 	snop  }
0x2f: {  	[tilespmem:s0], [sflag:$0x1] =	stream.indirect.gather [hbm4b:s3+s10], $0x10, s31, s10, $0xb8;
	[tilespmem:$0x8C00] =	vst v63  }
0x30: {  	_ = 	snop  }
0x31: {  	[tilespmem:s9], [sflag:$0x1] =	stream.indirect.gather [hbm4b:s3+s10], $0x10, s1, s10, $0xb8;
	[tilespmem:$0x8C00] =	vst v63  }
0x32: {  	_ = 	snop  }
0x33: {  	[tilespmem:s12], [sflag:$0x1] =	stream.indirect.gather [hbm4b:s3+s10], $0x10, s11, s10, $0xb8;
	[tilespmem:$0x8C00] =	vst v63  }
0x34: {  	_ = 	snop  }
0x35: {  	[tilespmem:s14], [sflag:$0x1] =	stream.indirect.gather [hbm4b:s3+s10], $0x10, s13, s10, $0xb8;
	[tilespmem:$0x8C00] =	vst v63  }
0x36: {  	_ = 	snop  }
0x37: {  	[tilespmem:s16], [sflag:$0x1] =	stream.indirect.gather [hbm4b:s3+s10], $0x10, s15, s10, $0xb8;
	[tilespmem:$0x8C00] =	vst v63  }
0x38: {  	_ =	swait.ge [sflag:s17], $0x800  }
0x39: {  	[sflag:s17] =	ssyncset.done $0x0  }
0x3a: {  	[sflag:s17] =	ssyncadd.s32 $0xFFFFF800  }
0x3b: {  	_ =	swait.ge [sflag:s17], $0x800  }
0x3c: {  	[sflag:s17] =	ssyncset.done $0x0  }
0x3d: {  	[sflag:s17] =	ssyncadd.s32 $0xFFFFF800  }
0x3e: {  	_ =	swait.ge [sflag:s17], $0x800  }
0x3f: {  	[sflag:s17] =	ssyncset.done $0x0  }
0x40: {  	[sflag:s17] =	ssyncadd.s32 $0xFFFFF800  }
0x41: {  	_ =	swait.ge [sflag:s17], $0x800  }
0x42: {  	[sflag:s17] =	ssyncset.done $0x0  }
0x43: {  	[sflag:s17] =	ssyncadd.s32 $0xFFFFF800  }
0x44: {  	_ =	swait.ge [sflag:s17], $0x800  }
0x45: {  	[sflag:s17] =	ssyncset.done $0x0  }
0x46: {  	[sflag:s17] =	ssyncadd.s32 $0xFFFFF800  }
0x47: {  	_ =	swait.ge [sflag:s17], $0x800  }
0x48: {  	[sflag:s17] =	ssyncset.done $0x0  }
0x49: {  	[sflag:s17] =	ssyncadd.s32 $0xFFFFF800  }
0x4a: {  	_ =	swait.ge [sflag:s17], $0x800  }
0x4b: {  	[sflag:s17] =	ssyncset.done $0x0  }
0x4c: {  	[sflag:s17] =	ssyncadd.s32 $0xFFFFF800  }
0x4d: {  	_ =	swait.ge [sflag:s17], $0x800  }
0x4e: {  	[sflag:s17] =	ssyncset.done $0x0  }
0x4f: {  	[sflag:s17] =	ssyncadd.s32 $0xFFFFF800  }
0x50: {  	_ =	swait.ge [sflag:s17], $0x800  }
0x51: {  	[sflag:s17] =	ssyncset.done $0x0  }
0x52: {  	[sflag:s17] =	ssyncadd.s32 $0xFFFFF800  }
0x53: {  	_ =	swait.ge [sflag:s17], $0x800  }
0x54: {  	[sflag:s17] =	ssyncset.done $0x0  }
0x55: {  	[sflag:s17] =	ssyncadd.s32 $0xFFFFF800  }
0x56: {  	_ =	swait.ge [sflag:s17], $0x800  }
0x57: {  	[sflag:s17] =	ssyncset.done $0x0  }
0x58: {  	[sflag:s17] =	ssyncadd.s32 $0xFFFFF800  }
0x59: {  	_ =	swait.ge [sflag:s17], $0x800  }
0x5a: {  	[sflag:s17] =	ssyncset.done $0x0  }
0x5b: {  	[sflag:s17] =	ssyncadd.s32 $0xFFFFF800  }
0x5c: {  	_ =	swait.ge [sflag:s17], $0x800  }
0x5d: {  	[sflag:s17] =	ssyncset.done $0x0  }
0x5e: {  	[sflag:s17] =	ssyncadd.s32 $0xFFFFF800  }
0x5f: {  	_ =	swait.ge [sflag:s17], $0x800  }
0x60: {  	[sflag:s17] =	ssyncset.done $0x0  }
0x61: {  	[sflag:s17] =	ssyncadd.s32 $0xFFFFF800  }
0x62: {  	_ =	swait.ge [sflag:s17], $0x800  }
0x63: {  	[sflag:s17] =	ssyncset.done $0x0  }
0x64: {  	[sflag:s17] =	ssyncadd.s32 $0xFFFFF800  }
0x65: {  	_ =	swait.ge [sflag:s17], $0x800  }
0x66: {  	[sflag:s17] =	ssyncset.done $0x0  }
0x67: {  	s20 =	simm.s32 $0x800;
	s21 =	simm.s32 $0x0;
	[sflag:s17] =	ssyncadd.s32 $0xFFFFF800  }
.LBB2_2:
0x68: {  	v0 =	vmov s20;
	_ =	sdelay $0x1  }
0x69: {  	s22 =	sshll.u32 s21, $0x4  }
0x6a: {  	s22 =	sand.u32 $0x3FFFFFF0, s22  }
0x6b: {  	s23 =	simm.s32 $0x40;
	v1 =	vld [tilespmem:s22+$0x8800];
	s22 =	simm.s32 $0x0  }
.LBB2_3:
0x6c: {  	p0 =	sne.s32 s23, $0x7C0;
	v2 =	vld.idx.msk [tilespmem:v0+s22+$0x0 ss:$0x1], $0xffff;
	_ =	sdelay $0x3  }
.Ltmp0:
0x6d: {  	(pc) =	sbr.rel @p0 .LBB2_3-.Ltmp0, $3  }
0x6e: {  	_ = 	snop  }
0x6f: {  	v2 =	vsub.f32 v2, v1;
	_ =	sdelay $0x1  }
0x70: {  	[tilespmem:v0+s22+$0x0 ss:$0x1] =	vst.idx.msk $0xffff, v2;
	s22 =	sshra.s32 s23, $0x2;
	s23 =	sadd.s32 $0x40, s23  }
0x71: {  	_ =	sdelay $0x3  }
0x72: {  	v2 =	vld.idx.msk [tilespmem:v0+s22+$0x0 ss:$0x1], $0xffff  }
0x73: {  	s21 =	sadd.s32 $0x1, s21  }
0x74: {  	p0 =	sne.s32 s21, $0x40  }
.Ltmp1:
0x75: {  	_ = 	snop;
	(pc) =	sbr.rel @p0 .LBB2_2-.Ltmp1, $3  }
0x76: {  	_ = 	snop  }
0x77: {  	v1 =	vsub.f32 v2, v1;
	_ =	sdelay $0x1  }
0x78: {  	s20 =	sadd.s32 $0x200, s20;
	[tilespmem:v0+s22+$0x0 ss:$0x1] =	vst.idx.msk $0xffff, v1  }
0x79: {  	s19 =	sadd.s32 $0x1, s19  }
0x7a: {  	p0 =	sne.s32 s19, s7  }
.Ltmp2:
0x7b: {  	_ = 	snop;
	(pc) =	sbr.rel @p0 .LBB2_1-.Ltmp2, $4  }
0x7c: {  	[hbm4b:s6+s2] =	stream.linear.scatter [tilespmem:s18], [sflag:$0x2], $0x8000, $0x38;
	[tilespmem:$0x8C00] =	vst v63  }
0x7d: {  	_ =	swait.ge [sflag:s8], $0x8000  }
0x7e: {  	[sflag:s8] =	ssyncset.done $0x0  }
0x7f: {  	[sflag:s8] =	ssyncadd.s32 $0xFFFF8000  }
0x80: {  	_ =	sfence.sel $0x180000  }
0x81: {  	[bflag:$0x0] =	sbarrier.arrive $0xFFFF  }
0x82: {  	_ =	strace $0x90000047  }
0x83: {  	s0 =	stileid.u32;
	[bflag:$0x2] =	sbarrier.arrive $0xFFFF  }
0x84: {  	p0 =	sne.s32 s0, $0x0;
	s0 =	rddreg [dreg:$0x2]  }
0x85: {  	s0 =	sadd.s32 @!p0 $0x100000, s0  }
0x86: {  	[sflag:s0] =	ssyncadd.tile.s32 @!p0 $0x1;
	_ =	shalt  }
.Lfunc_end2:
_tile_overlayer_lowered:
.L_overlay_start_2:
0x87: {  	(tag) =	ssettag $0x2  }
0x88: {  	s0 =	rddreg [dreg:$0x0];
	s2 =	stileid.u32  }
0x89: {  	s1 =	rddreg [dreg:$0x1];
	p0 =	sne.s32 s2, $0x0  }
0x8a: {  	s3 =	rddreg [dreg:$0x2];
	[bflag:$0x3] =	sbarrier.arrive $0xFFFF;
	s2 =	simm.s32 @!p0 $0x1C02  }
0x8b: {  	[timem:s3], [sflag:s2] =	dma.local @!p0 [hbm:s0], s1  }
0x8c: {  	s0 =	simm.s32 @!p0 $0x2  }
0x8d: {  	_ =	swait.ge @!p0 [sflag:s0], s1  }
0x8e: {  	s1 =	ssub.s32 @!p0 $0x0, s1;
	[sflag:s0] =	ssyncset.done @!p0 $0x0  }
0x8f: {  	[sflag:s0] =	ssyncadd.s32 @!p0 s1  }
0x90: {  	[bflag:$0x3] =	sbarrier.arrive $0xFFFF  }
0x91: {  	_ =	shalt  }

</sc_bundles>
